<compile_context>
chip_gen: v7x
topology: tpu7x:2x2x1
jax: 0.10.2.dev20260603
libtpu: 0.0.44.dev20260713+nightly
codegen_flags: <defaults>
</compile_context>

<pallas_src>
import functools

import jax
import jax.numpy as jnp
from jax import lax
from jax.experimental import pallas as pl
from jax.experimental.pallas import tpu as pltpu
from jax.experimental.pallas import tpu_sc as plsc

B = 16384
D = 32
F = 26
V = 100000
NC, NS = 2, 16
NW = NC * NS
BW = B // NW
NCHUNK = 4
CH = BW // NCHUNK


S = 25088
SH = S // 2
CK = 1792


def _tc_pack(tables_t):

    def body(x0, x1, x2, x3, o_ref):
        x4 = jnp.concatenate([x0[0], x1[0], x2[0], x3[0]],
                             axis=0)
        eye = jnp.eye(4 * D, dtype=jnp.bfloat16)
        dn = (((0,), (0,)), ((), ()))
        for c in range(SH // CK):
            hi = x4[:, c * CK:(c + 1) * CK].astype(jnp.bfloat16)
            o_ref[pl.ds(c * CK, CK), :] = lax.dot_general(
                hi, eye, dn, preferred_element_type=jnp.float32,
            ).astype(jnp.bfloat16)

    def spec(a):
        return pl.BlockSpec((1, D, SH), lambda f, j, a=a: (f, 0, 2 * a + j))

    return pl.pallas_call(
        body,
        grid=(F, 2),
        in_specs=[spec(0), spec(1), spec(2), spec(3)],
        out_specs=pl.BlockSpec((SH, 4 * D), lambda f, j: (2 * f + j, 0)),
        out_shape=jax.ShapeDtypeStruct((F * S, 4 * D), jnp.bfloat16),
    )(tables_t, tables_t, tables_t, tables_t)


def _sc_gather(table_rows, gidx):
    mesh = plsc.VectorSubcoreMesh(core_axis_name="c", subcore_axis_name="s")

    @functools.partial(
        pl.kernel,
        out_type=jax.ShapeDtypeStruct((B, F * D), jnp.bfloat16),
        mesh=mesh,
        compiler_params=pltpu.CompilerParams(use_tc_tiling_on_sc=False),
        scratch_types=[
            pltpu.VMEM((F, NCHUNK, CH), jnp.int32),
            pltpu.VMEM((BW, D), jnp.bfloat16),
            pltpu.SemaphoreType.DMA,
            pltpu.SemaphoreType.DMA,
            pltpu.SemaphoreType.DMA,
            pltpu.SemaphoreType.DMA,
        ],
    )
    def k(tab_hbm, idx_hbm, out_hbm, idx_v, rows_v, s0, s1, s2, s3):
        wid = lax.axis_index("s") * NC + lax.axis_index("c")
        base = wid * BW
        pltpu.sync_copy(idx_hbm.at[:, wid], idx_v)
        sems = [s0, s1, s2, s3]

        @pl.loop(0, F)
        def _(f):
            copies = []
            for c in range(NCHUNK):
                copies.append(pltpu.async_copy(
                    tab_hbm.at[idx_v.at[f, c]],
                    rows_v.at[pl.ds(c * CH, CH)],
                    sems[c],
                ))
            for cp in copies:
                cp.wait()
            pltpu.sync_copy(
                rows_v, out_hbm.at[pl.ds(base, BW), pl.ds(f * D, D)])

    return k(table_rows, gidx)


def _tc_bottom(dense, W0, b0, W1, b1):
    T = 2048

    def body(x_ref, w0_ref, b0_ref, w1_ref, b1_ref, o_ref):
        h = jnp.dot(x_ref[...], w0_ref[...],
                    preferred_element_type=jnp.float32) + b0_ref[...]
        h = jnp.maximum(h, 0.0)
        o_ref[...] = jnp.dot(h, w1_ref[...],
                             preferred_element_type=jnp.float32) + b1_ref[...]

    return pl.pallas_call(
        body,
        grid=(B // T,),
        in_specs=[
            pl.BlockSpec((T, 13), lambda i: (i, 0)),
            pl.BlockSpec((13, 256), lambda i: (0, 0)),
            pl.BlockSpec((1, 256), lambda i: (0, 0)),
            pl.BlockSpec((256, 32), lambda i: (0, 0)),
            pl.BlockSpec((1, 32), lambda i: (0, 0)),
        ],
        out_specs=pl.BlockSpec((T, 32), lambda i: (i, 0)),
        out_shape=jax.ShapeDtypeStruct((B, 32), jnp.float32),
    )(dense, W0, b0.reshape(1, 256), W1, b1.reshape(1, 32))


def _tc_top(dense_out, emb, Wt0a, Wt0b, bt0, Wt1, bt1):
    T = 1024

    def body(d_ref, e_ref, wa_ref, wb_ref, c0_ref, w1_ref, c1_ref, o_ref):
        acc = jnp.dot(d_ref[...], wa_ref[...],
                      preferred_element_type=jnp.float32)
        acc = acc + jnp.dot(e_ref[...].astype(jnp.float32), wb_ref[...],
                            preferred_element_type=jnp.float32)
        h2 = jnp.maximum(acc + c0_ref[...], 0.0)
        o = jnp.dot(h2, w1_ref[...],
                    preferred_element_type=jnp.float32) + c1_ref[...]
        o_ref[...] = jax.nn.sigmoid(o) * 5.0

    return pl.pallas_call(
        body,
        grid=(B // T,),
        in_specs=[
            pl.BlockSpec((T, 32), lambda i: (i, 0)),
            pl.BlockSpec((T, F * D), lambda i: (i, 0)),
            pl.BlockSpec((32, 64), lambda i: (0, 0)),
            pl.BlockSpec((F * D, 64), lambda i: (0, 0)),
            pl.BlockSpec((1, 64), lambda i: (0, 0)),
            pl.BlockSpec((64, 1), lambda i: (0, 0)),
            pl.BlockSpec((1, 1), lambda i: (0, 0)),
        ],
        out_specs=pl.BlockSpec((T, 1), lambda i: (i, 0)),
        out_shape=jax.ShapeDtypeStruct((B, 1), jnp.float32),
    )(dense_out, emb, Wt0a, Wt0b, bt0.reshape(1, 64), Wt1,
      bt1.reshape(1, 1))


def kernel(dense_features, categorical_features, tables,
           W0, b0, W1, b1, Wt0, bt0, Wt1, bt1):
    tables_t = jnp.transpose(tables, (0, 2, 1))
    packed = _tc_pack(tables_t)
    offs = (jnp.arange(F, dtype=jnp.int32) * S)[:, None]
    cat = categorical_features.astype(jnp.int32)
    gidx = (4 * (cat % S + offs) + cat // S).reshape(F, NW, NCHUNK, CH)
    emb = _sc_gather(packed.reshape(4 * F * S, D), gidx)
    dense_out = _tc_bottom(dense_features, W0, b0, W1, b1)
    out = _tc_top(dense_out, emb, Wt0[:32], Wt0[32:], bt0, Wt1, bt1)
    return out.reshape(B)

# --- scband reference (transcript-rebuilt; emitter-appended) ---
"""Pipeline reference for scband-dlrm-76450417869475 (READ-ONLY COPY).

The authoritative reference and input builder live on the scoring server;
editing this copy changes nothing except your own understanding.
"""

import jax, jax.numpy as jnp
import numpy as np


def setup_inputs(seed: int = 0) -> dict:
    key = jax.random.key(seed)
    ks = jax.random.split(key, 10)
    B, D, V, F = 16384, 32, 100000, 26
    dense_features = jax.random.normal(ks[0], (B, 13), dtype=jnp.float32)
    categorical_features = jax.random.randint(ks[1], (F, B), 0, V)
    scale = 1.0 / D
    tables = jax.random.uniform(ks[2], (F, V, D), minval=-scale, maxval=scale, dtype=jnp.float32)
    W0 = jax.random.normal(ks[3], (13, 256), dtype=jnp.float32) * 0.05
    b0 = jnp.zeros((256,), jnp.float32)
    W1 = jax.random.normal(ks[4], (256, 32), dtype=jnp.float32) * 0.05
    b1 = jnp.zeros((32,), jnp.float32)
    top_in = 32 + D * F  # 864
    Wt0 = jax.random.normal(ks[5], (top_in, 64), dtype=jnp.float32) * 0.05
    bt0 = jnp.zeros((64,), jnp.float32)
    Wt1 = jax.random.normal(ks[6], (64, 1), dtype=jnp.float32) * 0.05
    bt1 = jnp.zeros((1,), jnp.float32)
    return {
        "dense_features": dense_features,
        "categorical_features": categorical_features,
        "tables": tables,
        "W0": W0, "b0": b0, "W1": W1, "b1": b1,
        "Wt0": Wt0, "bt0": bt0, "Wt1": Wt1, "bt1": bt1,
    }


def reference(dense_features, categorical_features, tables, W0, b0, W1, b1, Wt0, bt0, Wt1, bt1):
    # bottom MLP (dropout is identity in eval)
    h = jax.nn.relu(dense_features @ W0 + b0)
    dense_out = h @ W1 + b1  # [B, 32]
    # embedding lookups: one gather per sparse field
    emb = jax.vmap(lambda t, idx: jnp.take(t, idx, axis=0))(tables, categorical_features)  # [F, B, D]
    B = dense_features.shape[0]
    emb_flat = jnp.transpose(emb, (1, 0, 2)).reshape(B, -1)  # [B, F*D]
    # interaction_op == 'cat'
    x = jnp.concatenate([dense_out, emb_flat], axis=1)  # [B, 864]
    h2 = jax.nn.relu(x @ Wt0 + bt0)
    out = h2 @ Wt1 + bt1
    out = jax.nn.sigmoid(out) * 5.0
    return jnp.squeeze(out, axis=1)

if __name__ == "__main__":
    import jax
    _d = setup_inputs()
    print(jax.jit(kernel)(*tuple(_d.values())))

</pallas_src>

<mosaic_0001>
#map = affine_map<(d0, d1) -> (0, 0)>
#map1 = affine_map<(d0, d1) -> (0, 0, 0, 0)>
module attributes {stable_mosaic.version = 14 : i64} {
  func.func @k(%arg0: i32, %arg1: i32, %arg2: memref<2609152x32xbf16, #tpu.memory_space<hbm>>, %arg3: memref<26x32x4x128xi32, #tpu.memory_space<hbm>>, %arg4: memref<16384x832xbf16, #tpu.memory_space<hbm>>, %arg5: memref<26x4x128xi32, #tpu.memory_space<vmem>>, %arg6: memref<512x32xbf16, #tpu.memory_space<vmem>>, %arg7: memref<!tpu.dma_semaphore, #tpu.memory_space<semaphore_mem>>, %arg8: memref<!tpu.dma_semaphore, #tpu.memory_space<semaphore_mem>>, %arg9: memref<!tpu.dma_semaphore, #tpu.memory_space<semaphore_mem>>, %arg10: memref<!tpu.dma_semaphore, #tpu.memory_space<semaphore_mem>>) attributes {dimension_semantics = [#tpu.dimension_semantics<core_parallel>, #tpu.dimension_semantics<subcore_parallel>], iteration_bounds = array<i64: 2, 16>, scalar_prefetch = 0 : i64, scratch_operands = 6 : i64, tpu.core_type = #tpu.core_type<sc_vector_subcore>, window_params = [{transform_indices = #map}, {transform_indices = #map1}, {transform_indices = #map}]} {
    %mul3A = arith.constant 2 : i32
    %mul3A_0 = arith.muli %arg1, %mul3A : i32
    %add3A = arith.addi %mul3A_0, %arg0 : i32
    %mul3A_1 = arith.constant 512 : i32
    %mul3A_2 = arith.muli %add3A, %mul3A_1 : i32
    "tpu.region"() ({
      %run_scoped3A = tpu.sem_alloc : memref<!tpu.dma_semaphore, #tpu.memory_space<semaphore_mem>>
      %dma_start3A = arith.constant 0 : i32
      %dma_start3A_7 = arith.constant 0 : i32
      %dma_start3A_8 = arith.constant 0 : i32
      %dma_start3A_9 = tpu.memref_slice %arg3[%dma_start3A, %add3A, %dma_start3A_7, %dma_start3A_8] : memref<26x32x4x128xi32, #tpu.memory_space<hbm>> -> memref<26x1x4x128xi32, #tpu.memory_space<hbm>>
      %dma_start3A_10 = tpu.memref_squeeze %dma_start3A_9 : memref<26x1x4x128xi32, #tpu.memory_space<hbm>> -> memref<26x4x128xi32, #tpu.memory_space<hbm>>
      %dma_start3A_11 = arith.constant 0 : i32
      %dma_start3A_12 = arith.constant 0 : i32
      %dma_start3A_13 = arith.constant 0 : i32
      %dma_start3A_14 = tpu.memref_slice %arg3[%dma_start3A_11, %add3A, %dma_start3A_12, %dma_start3A_13] : memref<26x32x4x128xi32, #tpu.memory_space<hbm>> -> memref<26x1x4x128xi32, #tpu.memory_space<hbm>>
      %dma_start3A_15 = tpu.memref_squeeze %dma_start3A_14 : memref<26x1x4x128xi32, #tpu.memory_space<hbm>> -> memref<26x4x128xi32, #tpu.memory_space<hbm>>
      tpu.enqueue_dma source(%dma_start3A_15 : memref<26x4x128xi32, #tpu.memory_space<hbm>>) target(%arg5 : memref<26x4x128xi32, #tpu.memory_space<vmem>>) target_semaphore(%run_scoped3A : memref<!tpu.dma_semaphore, #tpu.memory_space<semaphore_mem>>)
      %dma_wait3A = arith.constant 0 : i32
      %dma_wait3A_16 = arith.constant 0 : i32
      %dma_wait3A_17 = arith.constant 0 : i32
      %dma_wait3A_18 = tpu.memref_slice %arg3[%dma_wait3A, %add3A, %dma_wait3A_16, %dma_wait3A_17] : memref<26x32x4x128xi32, #tpu.memory_space<hbm>> -> memref<26x1x4x128xi32, #tpu.memory_space<hbm>>
      %dma_wait3A_19 = tpu.memref_squeeze %dma_wait3A_18 : memref<26x1x4x128xi32, #tpu.memory_space<hbm>> -> memref<26x4x128xi32, #tpu.memory_space<hbm>>
      %dma_wait3A_20 = arith.constant 0 : i32
      %dma_wait3A_21 = arith.constant 0 : i32
      %dma_wait3A_22 = arith.constant 0 : i32
      %dma_wait3A_23 = tpu.memref_slice %arg3[%dma_wait3A_20, %add3A, %dma_wait3A_21, %dma_wait3A_22] : memref<26x32x4x128xi32, #tpu.memory_space<hbm>> -> memref<26x1x4x128xi32, #tpu.memory_space<hbm>>
      %dma_wait3A_24 = tpu.memref_squeeze %dma_wait3A_23 : memref<26x1x4x128xi32, #tpu.memory_space<hbm>> -> memref<26x4x128xi32, #tpu.memory_space<hbm>>
      tpu.wait_dma2 semaphore(%run_scoped3A : memref<!tpu.dma_semaphore, #tpu.memory_space<semaphore_mem>>) src(%dma_wait3A_24 : memref<26x4x128xi32, #tpu.memory_space<hbm>>) dst(%arg5 : memref<26x4x128xi32, #tpu.memory_space<vmem>>)
      tpu.yield
    }) : () -> ()
    %scan3A = arith.constant 0 : i32
    %scan3A_3 = arith.constant 26 : i32
    %scan3A_4 = arith.addi %scan3A, %scan3A_3 : i32
    %scan3A_5 = arith.constant 1 : i32
    scf.for %scan3A_7 = %scan3A to %scan3A_4 step %scan3A_5  : i32 {
      %mul3A_8 = arith.constant 1 : i32
      %mul3A_9 = arith.muli %scan3A_7, %mul3A_8 : i32
      %add3A_10 = arith.constant 0 : i32
      %add3A_11 = arith.addi %add3A_10, %mul3A_9 : i32
      %dma_start3A = arith.constant 0 : i32
      %dma_start3A_12 = arith.constant 0 : i32
      %dma_start3A_13 = arith.constant 0 : i32
      %dma_start3A_14 = tpu.memref_slice %arg6[%dma_start3A_12, %dma_start3A_13] : memref<512x32xbf16, #tpu.memory_space<vmem>> -> memref<128x32xbf16, #tpu.memory_space<vmem>>
      %dma_start3A_15 = arith.constant 0 : i32
      %dma_start3A_16 = tpu.memref_slice %arg5[%add3A_11, %dma_start3A, %dma_start3A_15] : memref<26x4x128xi32, #tpu.memory_space<vmem>> -> memref<1x1x128xi32, #tpu.memory_space<vmem>>
      %dma_start3A_17 = tpu.memref_squeeze %dma_start3A_16 : memref<1x1x128xi32, #tpu.memory_space<vmem>> -> memref<128xi32, #tpu.memory_space<vmem>>
      %dma_start3A_18 = arith.constant 0 : i32
      %dma_start3A_19 = arith.constant 0 : i32
      %dma_start3A_20 = tpu.memref_slice %arg2[%dma_start3A_18, %dma_start3A_19] : memref<2609152x32xbf16, #tpu.memory_space<hbm>> -> memref<2609152x32xbf16, #tpu.memory_space<hbm>>
      tpu.enqueue_indirect_dma source(%dma_start3A_20 : memref<2609152x32xbf16, #tpu.memory_space<hbm>>) target(%dma_start3A_14 : memref<128x32xbf16, #tpu.memory_space<vmem>>) offsets(%dma_start3A_17 : memref<128xi32, #tpu.memory_space<vmem>>) semaphore(%arg7 : memref<!tpu.dma_semaphore, #tpu.memory_space<semaphore_mem>>)
      %dma_start3A_21 = arith.constant 1 : i32
      %dma_start3A_22 = arith.constant 128 : i32
      %dma_start3A_23 = arith.constant 0 : i32
      %dma_start3A_24 = tpu.memref_slice %arg6[%dma_start3A_22, %dma_start3A_23] : memref<512x32xbf16, #tpu.memory_space<vmem>> -> memref<128x32xbf16, #tpu.memory_space<vmem>>
      %dma_start3A_25 = arith.constant 0 : i32
      %dma_start3A_26 = tpu.memref_slice %arg5[%add3A_11, %dma_start3A_21, %dma_start3A_25] : memref<26x4x128xi32, #tpu.memory_space<vmem>> -> memref<1x1x128xi32, #tpu.memory_space<vmem>>
      %dma_start3A_27 = tpu.memref_squeeze %dma_start3A_26 : memref<1x1x128xi32, #tpu.memory_space<vmem>> -> memref<128xi32, #tpu.memory_space<vmem>>
      %dma_start3A_28 = arith.constant 0 : i32
      %dma_start3A_29 = arith.constant 0 : i32
      %dma_start3A_30 = tpu.memref_slice %arg2[%dma_start3A_28, %dma_start3A_29] : memref<2609152x32xbf16, #tpu.memory_space<hbm>> -> memref<2609152x32xbf16, #tpu.memory_space<hbm>>
      tpu.enqueue_indirect_dma source(%dma_start3A_30 : memref<2609152x32xbf16, #tpu.memory_space<hbm>>) target(%dma_start3A_24 : memref<128x32xbf16, #tpu.memory_space<vmem>>) offsets(%dma_start3A_27 : memref<128xi32, #tpu.memory_space<vmem>>) semaphore(%arg8 : memref<!tpu.dma_semaphore, #tpu.memory_space<semaphore_mem>>)
      %dma_start3A_31 = arith.constant 2 : i32
      %dma_start3A_32 = arith.constant 256 : i32
      %dma_start3A_33 = arith.constant 0 : i32
      %dma_start3A_34 = tpu.memref_slice %arg6[%dma_start3A_32, %dma_start3A_33] : memref<512x32xbf16, #tpu.memory_space<vmem>> -> memref<128x32xbf16, #tpu.memory_space<vmem>>
      %dma_start3A_35 = arith.constant 0 : i32
      %dma_start3A_36 = tpu.memref_slice %arg5[%add3A_11, %dma_start3A_31, %dma_start3A_35] : memref<26x4x128xi32, #tpu.memory_space<vmem>> -> memref<1x1x128xi32, #tpu.memory_space<vmem>>
      %dma_start3A_37 = tpu.memref_squeeze %dma_start3A_36 : memref<1x1x128xi32, #tpu.memory_space<vmem>> -> memref<128xi32, #tpu.memory_space<vmem>>
      %dma_start3A_38 = arith.constant 0 : i32
      %dma_start3A_39 = arith.constant 0 : i32
      %dma_start3A_40 = tpu.memref_slice %arg2[%dma_start3A_38, %dma_start3A_39] : memref<2609152x32xbf16, #tpu.memory_space<hbm>> -> memref<2609152x32xbf16, #tpu.memory_space<hbm>>
      tpu.enqueue_indirect_dma source(%dma_start3A_40 : memref<2609152x32xbf16, #tpu.memory_space<hbm>>) target(%dma_start3A_34 : memref<128x32xbf16, #tpu.memory_space<vmem>>) offsets(%dma_start3A_37 : memref<128xi32, #tpu.memory_space<vmem>>) semaphore(%arg9 : memref<!tpu.dma_semaphore, #tpu.memory_space<semaphore_mem>>)
      %dma_start3A_41 = arith.constant 3 : i32
      %dma_start3A_42 = arith.constant 384 : i32
      %dma_start3A_43 = arith.constant 0 : i32
      %dma_start3A_44 = tpu.memref_slice %arg6[%dma_start3A_42, %dma_start3A_43] : memref<512x32xbf16, #tpu.memory_space<vmem>> -> memref<128x32xbf16, #tpu.memory_space<vmem>>
      %dma_start3A_45 = arith.constant 0 : i32
      %dma_start3A_46 = tpu.memref_slice %arg5[%add3A_11, %dma_start3A_41, %dma_start3A_45] : memref<26x4x128xi32, #tpu.memory_space<vmem>> -> memref<1x1x128xi32, #tpu.memory_space<vmem>>
      %dma_start3A_47 = tpu.memref_squeeze %dma_start3A_46 : memref<1x1x128xi32, #tpu.memory_space<vmem>> -> memref<128xi32, #tpu.memory_space<vmem>>
      %dma_start3A_48 = arith.constant 0 : i32
      %dma_start3A_49 = arith.constant 0 : i32
      %dma_start3A_50 = tpu.memref_slice %arg2[%dma_start3A_48, %dma_start3A_49] : memref<2609152x32xbf16, #tpu.memory_space<hbm>> -> memref<2609152x32xbf16, #tpu.memory_space<hbm>>
      tpu.enqueue_indirect_dma source(%dma_start3A_50 : memref<2609152x32xbf16, #tpu.memory_space<hbm>>) target(%dma_start3A_44 : memref<128x32xbf16, #tpu.memory_space<vmem>>) offsets(%dma_start3A_47 : memref<128xi32, #tpu.memory_space<vmem>>) semaphore(%arg10 : memref<!tpu.dma_semaphore, #tpu.memory_space<semaphore_mem>>)
      %dma_wait3A = arith.constant 0 : i32
      %dma_wait3A_51 = arith.constant 0 : i32
      %dma_wait3A_52 = arith.constant 0 : i32
      %dma_wait3A_53 = tpu.memref_slice %arg6[%dma_wait3A_51, %dma_wait3A_52] : memref<512x32xbf16, #tpu.memory_space<vmem>> -> memref<128x32xbf16, #tpu.memory_space<vmem>>
      %dma_wait3A_54 = arith.constant 0 : i32
      %dma_wait3A_55 = tpu.memref_slice %arg5[%add3A_11, %dma_wait3A, %dma_wait3A_54] : memref<26x4x128xi32, #tpu.memory_space<vmem>> -> memref<1x1x128xi32, #tpu.memory_space<vmem>>
      %dma_wait3A_56 = tpu.memref_squeeze %dma_wait3A_55 : memref<1x1x128xi32, #tpu.memory_space<vmem>> -> memref<128xi32, #tpu.memory_space<vmem>>
      %dma_wait3A_57 = arith.constant 0 : i32
      %dma_wait3A_58 = arith.constant 0 : i32
      %dma_wait3A_59 = tpu.memref_slice %arg2[%dma_wait3A_57, %dma_wait3A_58] : memref<2609152x32xbf16, #tpu.memory_space<hbm>> -> memref<2609152x32xbf16, #tpu.memory_space<hbm>>
      tpu.wait_indirect_dma semaphore(%arg7 : memref<!tpu.dma_semaphore, #tpu.memory_space<semaphore_mem>>) src(%dma_wait3A_59 : memref<2609152x32xbf16, #tpu.memory_space<hbm>>) dst(%dma_wait3A_53 : memref<128x32xbf16, #tpu.memory_space<vmem>>)
      %dma_wait3A_60 = arith.constant 1 : i32
      %dma_wait3A_61 = arith.constant 128 : i32
      %dma_wait3A_62 = arith.constant 0 : i32
      %dma_wait3A_63 = tpu.memref_slice %arg6[%dma_wait3A_61, %dma_wait3A_62] : memref<512x32xbf16, #tpu.memory_space<vmem>> -> memref<128x32xbf16, #tpu.memory_space<vmem>>
      %dma_wait3A_64 = arith.constant 0 : i32
      %dma_wait3A_65 = tpu.memref_slice %arg5[%add3A_11, %dma_wait3A_60, %dma_wait3A_64] : memref<26x4x128xi32, #tpu.memory_space<vmem>> -> memref<1x1x128xi32, #tpu.memory_space<vmem>>
      %dma_wait3A_66 = tpu.memref_squeeze %dma_wait3A_65 : memref<1x1x128xi32, #tpu.memory_space<vmem>> -> memref<128xi32, #tpu.memory_space<vmem>>
      %dma_wait3A_67 = arith.constant 0 : i32
      %dma_wait3A_68 = arith.constant 0 : i32
      %dma_wait3A_69 = tpu.memref_slice %arg2[%dma_wait3A_67, %dma_wait3A_68] : memref<2609152x32xbf16, #tpu.memory_space<hbm>> -> memref<2609152x32xbf16, #tpu.memory_space<hbm>>
      tpu.wait_indirect_dma semaphore(%arg8 : memref<!tpu.dma_semaphore, #tpu.memory_space<semaphore_mem>>) src(%dma_wait3A_69 : memref<2609152x32xbf16, #tpu.memory_space<hbm>>) dst(%dma_wait3A_63 : memref<128x32xbf16, #tpu.memory_space<vmem>>)
      %dma_wait3A_70 = arith.constant 2 : i32
      %dma_wait3A_71 = arith.constant 256 : i32
      %dma_wait3A_72 = arith.constant 0 : i32
      %dma_wait3A_73 = tpu.memref_slice %arg6[%dma_wait3A_71, %dma_wait3A_72] : memref<512x32xbf16, #tpu.memory_space<vmem>> -> memref<128x32xbf16, #tpu.memory_space<vmem>>
      %dma_wait3A_74 = arith.constant 0 : i32
      %dma_wait3A_75 = tpu.memref_slice %arg5[%add3A_11, %dma_wait3A_70, %dma_wait3A_74] : memref<26x4x128xi32, #tpu.memory_space<vmem>> -> memref<1x1x128xi32, #tpu.memory_space<vmem>>
      %dma_wait3A_76 = tpu.memref_squeeze %dma_wait3A_75 : memref<1x1x128xi32, #tpu.memory_space<vmem>> -> memref<128xi32, #tpu.memory_space<vmem>>
      %dma_wait3A_77 = arith.constant 0 : i32
      %dma_wait3A_78 = arith.constant 0 : i32
      %dma_wait3A_79 = tpu.memref_slice %arg2[%dma_wait3A_77, %dma_wait3A_78] : memref<2609152x32xbf16, #tpu.memory_space<hbm>> -> memref<2609152x32xbf16, #tpu.memory_space<hbm>>
      tpu.wait_indirect_dma semaphore(%arg9 : memref<!tpu.dma_semaphore, #tpu.memory_space<semaphore_mem>>) src(%dma_wait3A_79 : memref<2609152x32xbf16, #tpu.memory_space<hbm>>) dst(%dma_wait3A_73 : memref<128x32xbf16, #tpu.memory_space<vmem>>)
      %dma_wait3A_80 = arith.constant 3 : i32
      %dma_wait3A_81 = arith.constant 384 : i32
      %dma_wait3A_82 = arith.constant 0 : i32
      %dma_wait3A_83 = tpu.memref_slice %arg6[%dma_wait3A_81, %dma_wait3A_82] : memref<512x32xbf16, #tpu.memory_space<vmem>> -> memref<128x32xbf16, #tpu.memory_space<vmem>>
      %dma_wait3A_84 = arith.constant 0 : i32
      %dma_wait3A_85 = tpu.memref_slice %arg5[%add3A_11, %dma_wait3A_80, %dma_wait3A_84] : memref<26x4x128xi32, #tpu.memory_space<vmem>> -> memref<1x1x128xi32, #tpu.memory_space<vmem>>
      %dma_wait3A_86 = tpu.memref_squeeze %dma_wait3A_85 : memref<1x1x128xi32, #tpu.memory_space<vmem>> -> memref<128xi32, #tpu.memory_space<vmem>>
      %dma_wait3A_87 = arith.constant 0 : i32
      %dma_wait3A_88 = arith.constant 0 : i32
      %dma_wait3A_89 = tpu.memref_slice %arg2[%dma_wait3A_87, %dma_wait3A_88] : memref<2609152x32xbf16, #tpu.memory_space<hbm>> -> memref<2609152x32xbf16, #tpu.memory_space<hbm>>
      tpu.wait_indirect_dma semaphore(%arg10 : memref<!tpu.dma_semaphore, #tpu.memory_space<semaphore_mem>>) src(%dma_wait3A_89 : memref<2609152x32xbf16, #tpu.memory_space<hbm>>) dst(%dma_wait3A_83 : memref<128x32xbf16, #tpu.memory_space<vmem>>)
      %mul3A_90 = arith.constant 32 : i32
      %mul3A_91 = arith.muli %add3A_11, %mul3A_90 : i32
      "tpu.region"() ({
        %run_scoped3A = tpu.sem_alloc : memref<!tpu.dma_semaphore, #tpu.memory_space<semaphore_mem>>
        %dma_start3A_92 = tpu.memref_slice %arg4[%mul3A_2, %mul3A_91] : memref<16384x832xbf16, #tpu.memory_space<hbm>> -> memref<512x32xbf16, #tpu.memory_space<hbm>>
        %dma_start3A_93 = tpu.memref_slice %arg4[%mul3A_2, %mul3A_91] : memref<16384x832xbf16, #tpu.memory_space<hbm>> -> memref<512x32xbf16, #tpu.memory_space<hbm>>
        tpu.enqueue_dma source(%arg6 : memref<512x32xbf16, #tpu.memory_space<vmem>>) target(%dma_start3A_93 : memref<512x32xbf16, #tpu.memory_space<hbm>>) target_semaphore(%run_scoped3A : memref<!tpu.dma_semaphore, #tpu.memory_space<semaphore_mem>>)
        %dma_wait3A_94 = tpu.memref_slice %arg4[%mul3A_2, %mul3A_91] : memref<16384x832xbf16, #tpu.memory_space<hbm>> -> memref<512x32xbf16, #tpu.memory_space<hbm>>
        %dma_wait3A_95 = tpu.memref_slice %arg4[%mul3A_2, %mul3A_91] : memref<16384x832xbf16, #tpu.memory_space<hbm>> -> memref<512x32xbf16, #tpu.memory_space<hbm>>
        tpu.wait_dma2 semaphore(%run_scoped3A : memref<!tpu.dma_semaphore, #tpu.memory_space<semaphore_mem>>) src(%arg6 : memref<512x32xbf16, #tpu.memory_space<vmem>>) dst(%dma_wait3A_95 : memref<512x32xbf16, #tpu.memory_space<hbm>>)
        tpu.yield
      }) : () -> ()
    }
    %scan3A_6 = arith.constant 26 : i32
    return
  }
}

module attributes {stable_mosaic.version = 14 : i64} {
  func.func @body(%arg0: i32, %arg1: i32, %arg2: memref<1x32x12544xf32, #tpu.memory_space<vmem>>, %arg3: memref<1x32x12544xf32, #tpu.memory_space<vmem>>, %arg4: memref<1x32x12544xf32, #tpu.memory_space<vmem>>, %arg5: memref<1x32x12544xf32, #tpu.memory_space<vmem>>, %arg6: memref<12544x128xbf16, #tpu.memory_space<vmem>>) attributes {dimension_semantics = [#tpu.dimension_semantics<arbitrary>, #tpu.dimension_semantics<arbitrary>], iteration_bounds = array<i64: 26, 2>, scalar_prefetch = 0 : i64, scratch_operands = 0 : i64, tpu.core_type = #tpu.core_type<tc>, window_params = [{transform_indices = @transform_0, window_bounds = array<i64: 1, 32, 12544>}, {transform_indices = @transform_1, window_bounds = array<i64: 1, 32, 12544>}, {transform_indices = @transform_2, window_bounds = array<i64: 1, 32, 12544>}, {transform_indices = @transform_3, window_bounds = array<i64: 1, 32, 12544>}, {transform_indices = @transform_4, window_bounds = array<i64: 12544, 128>}]} {
    %get3A = arith.constant 0 : index
    %get3A_0 = arith.constant 0 : index
    %get3A_1 = arith.constant 0 : index
    %get3A_2 = vector.load %arg2[%get3A, %get3A_0, %get3A_1] : memref<1x32x12544xf32, #tpu.memory_space<vmem>>, vector<1x32x12544xf32>
    %get3A_3 = vector.shape_cast %get3A_2 : vector<1x32x12544xf32> to vector<32x12544xf32>
    %get3A_4 = arith.constant 0 : index
    %get3A_5 = arith.constant 0 : index
    %get3A_6 = arith.constant 0 : index
    %get3A_7 = vector.load %arg3[%get3A_4, %get3A_5, %get3A_6] : memref<1x32x12544xf32, #tpu.memory_space<vmem>>, vector<1x32x12544xf32>
    %get3A_8 = vector.shape_cast %get3A_7 : vector<1x32x12544xf32> to vector<32x12544xf32>
    %get3A_9 = arith.constant 0 : index
    %get3A_10 = arith.constant 0 : index
    %get3A_11 = arith.constant 0 : index
    %get3A_12 = vector.load %arg4[%get3A_9, %get3A_10, %get3A_11] : memref<1x32x12544xf32, #tpu.memory_space<vmem>>, vector<1x32x12544xf32>
    %get3A_13 = vector.shape_cast %get3A_12 : vector<1x32x12544xf32> to vector<32x12544xf32>
    %get3A_14 = arith.constant 0 : index
    %get3A_15 = arith.constant 0 : index
    %get3A_16 = arith.constant 0 : index
    %get3A_17 = vector.load %arg5[%get3A_14, %get3A_15, %get3A_16] : memref<1x32x12544xf32, #tpu.memory_space<vmem>>, vector<1x32x12544xf32>
    %get3A_18 = vector.shape_cast %get3A_17 : vector<1x32x12544xf32> to vector<32x12544xf32>
    %concatenate3A = tpu.concatenate %get3A_3, %get3A_8, %get3A_13, %get3A_18 in 0 : vector<32x12544xf32>, vector<32x12544xf32>, vector<32x12544xf32>, vector<32x12544xf32> -> vector<128x12544xf32>
    %iota3A = tpu.iota {dimensions = array<i32: 0>} : vector<128x128xi32>
    %iota3A_19 = tpu.iota {dimensions = array<i32: 1>} : vector<128x128xi32>
    %add3A = arith.constant 0 : i32
    %add3A_20 = vector.broadcast %add3A : i32 to vector<128x128xi32>
    %add3A_21 = arith.addi %iota3A, %add3A_20 : vector<128x128xi32>
    %eq3A = arith.cmpi eq, %add3A_21, %iota3A_19 : vector<128x128xi32>
    %convert_element_type3A = arith.extui %eq3A : vector<128x128xi1> to vector<128x128xi32>
    %convert_element_type3A_22 = arith.sitofp %convert_element_type3A : vector<128x128xi32> to vector<128x128xf32>
    %convert_element_type3A_23 = arith.truncf %convert_element_type3A_22 : vector<128x128xf32> to vector<128x128xbf16>
    %slice3A = vector.extract_strided_slice %concatenate3A {offsets = [0, 0], sizes = [128, 1792], strides = [1, 1]} : vector<128x12544xf32> to vector<128x1792xf32>
    %convert_element_type3A_24 = arith.truncf %slice3A : vector<128x1792xf32> to vector<128x1792xbf16>
    %dot_general3A = arith.constant dense<0.000000e+00> : vector<1792x128xf32>
    %dot_general3A_25 = tpu.matmul %convert_element_type3A_24, %convert_element_type3A_23, %dot_general3A {dimension_numbers = #tpu.dot_dimension_numbers<[0], [0], [1], [1], [0, 1, 1, 1], [], []>, transpose_lhs_hint = false} : vector<128x1792xbf16>, vector<128x128xbf16>, vector<1792x128xf32> -> vector<1792x128xf32>
    %convert_element_type3A_26 = arith.truncf %dot_general3A_25 : vector<1792x128xf32> to vector<1792x128xbf16>
    %swap3A = arith.constant 0 : index
    %swap3A_27 = arith.constant 0 : index
    %swap3A_28 = vector.load %arg6[%swap3A, %swap3A_27] : memref<12544x128xbf16, #tpu.memory_space<vmem>>, vector<1792x128xbf16>
    tpu.vector_store %arg6[%swap3A, %swap3A_27], %convert_element_type3A_26 {strides = array<i32>} : memref<12544x128xbf16, #tpu.memory_space<vmem>>, vector<1792x128xbf16>,
    %slice3A_29 = vector.extract_strided_slice %concatenate3A {offsets = [0, 1792], sizes = [128, 1792], strides = [1, 1]} : vector<128x12544xf32> to vector<128x1792xf32>
    %convert_element_type3A_30 = arith.truncf %slice3A_29 : vector<128x1792xf32> to vector<128x1792xbf16>
    %dot_general3A_31 = arith.constant dense<0.000000e+00> : vector<1792x128xf32>
    %dot_general3A_32 = tpu.matmul %convert_element_type3A_30, %convert_element_type3A_23, %dot_general3A_31 {dimension_numbers = #tpu.dot_dimension_numbers<[0], [0], [1], [1], [0, 1, 1, 1], [], []>, transpose_lhs_hint = false} : vector<128x1792xbf16>, vector<128x128xbf16>, vector<1792x128xf32> -> vector<1792x128xf32>
    %convert_element_type3A_33 = arith.truncf %dot_general3A_32 : vector<1792x128xf32> to vector<1792x128xbf16>
    %swap3A_34 = arith.constant 1792 : index
    %swap3A_35 = arith.constant 0 : index
    %swap3A_36 = vector.load %arg6[%swap3A_34, %swap3A_35] : memref<12544x128xbf16, #tpu.memory_space<vmem>>, vector<1792x128xbf16>
    tpu.vector_store %arg6[%swap3A_34, %swap3A_35], %convert_element_type3A_33 {strides = array<i32>} : memref<12544x128xbf16, #tpu.memory_space<vmem>>, vector<1792x128xbf16>,
    %slice3A_37 = vector.extract_strided_slice %concatenate3A {offsets = [0, 3584], sizes = [128, 1792], strides = [1, 1]} : vector<128x12544xf32> to vector<128x1792xf32>
    %convert_element_type3A_38 = arith.truncf %slice3A_37 : vector<128x1792xf32> to vector<128x1792xbf16>
    %dot_general3A_39 = arith.constant dense<0.000000e+00> : vector<1792x128xf32>
    %dot_general3A_40 = tpu.matmul %convert_element_type3A_38, %convert_element_type3A_23, %dot_general3A_39 {dimension_numbers = #tpu.dot_dimension_numbers<[0], [0], [1], [1], [0, 1, 1, 1], [], []>, transpose_lhs_hint = false} : vector<128x1792xbf16>, vector<128x128xbf16>, vector<1792x128xf32> -> vector<1792x128xf32>
    %convert_element_type3A_41 = arith.truncf %dot_general3A_40 : vector<1792x128xf32> to vector<1792x128xbf16>
    %swap3A_42 = arith.constant 3584 : index
    %swap3A_43 = arith.constant 0 : index
    %swap3A_44 = vector.load %arg6[%swap3A_42, %swap3A_43] : memref<12544x128xbf16, #tpu.memory_space<vmem>>, vector<1792x128xbf16>
    tpu.vector_store %arg6[%swap3A_42, %swap3A_43], %convert_element_type3A_41 {strides = array<i32>} : memref<12544x128xbf16, #tpu.memory_space<vmem>>, vector<1792x128xbf16>,
    %slice3A_45 = vector.extract_strided_slice %concatenate3A {offsets = [0, 5376], sizes = [128, 1792], strides = [1, 1]} : vector<128x12544xf32> to vector<128x1792xf32>
    %convert_element_type3A_46 = arith.truncf %slice3A_45 : vector<128x1792xf32> to vector<128x1792xbf16>
    %dot_general3A_47 = arith.constant dense<0.000000e+00> : vector<1792x128xf32>
    %dot_general3A_48 = tpu.matmul %convert_element_type3A_46, %convert_element_type3A_23, %dot_general3A_47 {dimension_numbers = #tpu.dot_dimension_numbers<[0], [0], [1], [1], [0, 1, 1, 1], [], []>, transpose_lhs_hint = false} : vector<128x1792xbf16>, vector<128x128xbf16>, vector<1792x128xf32> -> vector<1792x128xf32>
    %convert_element_type3A_49 = arith.truncf %dot_general3A_48 : vector<1792x128xf32> to vector<1792x128xbf16>
    %swap3A_50 = arith.constant 5376 : index
    %swap3A_51 = arith.constant 0 : index
    %swap3A_52 = vector.load %arg6[%swap3A_50, %swap3A_51] : memref<12544x128xbf16, #tpu.memory_space<vmem>>, vector<1792x128xbf16>
    tpu.vector_store %arg6[%swap3A_50, %swap3A_51], %convert_element_type3A_49 {strides = array<i32>} : memref<12544x128xbf16, #tpu.memory_space<vmem>>, vector<1792x128xbf16>,
    %slice3A_53 = vector.extract_strided_slice %concatenate3A {offsets = [0, 7168], sizes = [128, 1792], strides = [1, 1]} : vector<128x12544xf32> to vector<128x1792xf32>
    %convert_element_type3A_54 = arith.truncf %slice3A_53 : vector<128x1792xf32> to vector<128x1792xbf16>
    %dot_general3A_55 = arith.constant dense<0.000000e+00> : vector<1792x128xf32>
    %dot_general3A_56 = tpu.matmul %convert_element_type3A_54, %convert_element_type3A_23, %dot_general3A_55 {dimension_numbers = #tpu.dot_dimension_numbers<[0], [0], [1], [1], [0, 1, 1, 1], [], []>, transpose_lhs_hint = false} : vector<128x1792xbf16>, vector<128x128xbf16>, vector<1792x128xf32> -> vector<1792x128xf32>
    %convert_element_type3A_57 = arith.truncf %dot_general3A_56 : vector<1792x128xf32> to vector<1792x128xbf16>
    %swap3A_58 = arith.constant 7168 : index
    %swap3A_59 = arith.constant 0 : index
    %swap3A_60 = vector.load %arg6[%swap3A_58, %swap3A_59] : memref<12544x128xbf16, #tpu.memory_space<vmem>>, vector<1792x128xbf16>
    tpu.vector_store %arg6[%swap3A_58, %swap3A_59], %convert_element_type3A_57 {strides = array<i32>} : memref<12544x128xbf16, #tpu.memory_space<vmem>>, vector<1792x128xbf16>,
    %slice3A_61 = vector.extract_strided_slice %concatenate3A {offsets = [0, 8960], sizes = [128, 1792], strides = [1, 1]} : vector<128x12544xf32> to vector<128x1792xf32>
    %convert_element_type3A_62 = arith.truncf %slice3A_61 : vector<128x1792xf32> to vector<128x1792xbf16>
    %dot_general3A_63 = arith.constant dense<0.000000e+00> : vector<1792x128xf32>
    %dot_general3A_64 = tpu.matmul %convert_element_type3A_62, %convert_element_type3A_23, %dot_general3A_63 {dimension_numbers = #tpu.dot_dimension_numbers<[0], [0], [1], [1], [0, 1, 1, 1], [], []>, transpose_lhs_hint = false} : vector<128x1792xbf16>, vector<128x128xbf16>, vector<1792x128xf32> -> vector<1792x128xf32>
    %convert_element_type3A_65 = arith.truncf %dot_general3A_64 : vector<1792x128xf32> to vector<1792x128xbf16>
    %swap3A_66 = arith.constant 8960 : index
    %swap3A_67 = arith.constant 0 : index
    %swap3A_68 = vector.load %arg6[%swap3A_66, %swap3A_67] : memref<12544x128xbf16, #tpu.memory_space<vmem>>, vector<1792x128xbf16>
    tpu.vector_store %arg6[%swap3A_66, %swap3A_67], %convert_element_type3A_65 {strides = array<i32>} : memref<12544x128xbf16, #tpu.memory_space<vmem>>, vector<1792x128xbf16>,
    %slice3A_69 = vector.extract_strided_slice %concatenate3A {offsets = [0, 10752], sizes = [128, 1792], strides = [1, 1]} : vector<128x12544xf32> to vector<128x1792xf32>
    %convert_element_type3A_70 = arith.truncf %slice3A_69 : vector<128x1792xf32> to vector<128x1792xbf16>
    %dot_general3A_71 = arith.constant dense<0.000000e+00> : vector<1792x128xf32>
    %dot_general3A_72 = tpu.matmul %convert_element_type3A_70, %convert_element_type3A_23, %dot_general3A_71 {dimension_numbers = #tpu.dot_dimension_numbers<[0], [0], [1], [1], [0, 1, 1, 1], [], []>, transpose_lhs_hint = false} : vector<128x1792xbf16>, vector<128x128xbf16>, vector<1792x128xf32> -> vector<1792x128xf32>
    %convert_element_type3A_73 = arith.truncf %dot_general3A_72 : vector<1792x128xf32> to vector<1792x128xbf16>
    %swap3A_74 = arith.constant 10752 : index
    %swap3A_75 = arith.constant 0 : index
    %swap3A_76 = vector.load %arg6[%swap3A_74, %swap3A_75] : memref<12544x128xbf16, #tpu.memory_space<vmem>>, vector<1792x128xbf16>
    tpu.vector_store %arg6[%swap3A_74, %swap3A_75], %convert_element_type3A_73 {strides = array<i32>} : memref<12544x128xbf16, #tpu.memory_space<vmem>>, vector<1792x128xbf16>,
    return
  }
  func.func @transform_0(%arg0: i32, %arg1: i32) -> (i32, i32, i32) {
    %add3A = arith.constant 0 : i32
    %add3A_0 = arith.addi %add3A, %arg1 : i32
    %c0_i32 = arith.constant 0 : i32
    %c0_i32_1 = arith.constant 0 : i32
    return %arg0, %c0_i32, %add3A_0 : i32, i32, i32
  }
  func.func @transform_1(%arg0: i32, %arg1: i32) -> (i32, i32, i32) {
    %add3A = arith.constant 2 : i32
    %add3A_0 = arith.addi %add3A, %arg1 : i32
    %c0_i32 = arith.constant 0 : i32
    %c0_i32_1 = arith.constant 0 : i32
    return %arg0, %c0_i32, %add3A_0 : i32, i32, i32
  }
  func.func @transform_2(%arg0: i32, %arg1: i32) -> (i32, i32, i32) {
    %add3A = arith.constant 4 : i32
    %add3A_0 = arith.addi %add3A, %arg1 : i32
    %c0_i32 = arith.constant 0 : i32
    %c0_i32_1 = arith.constant 0 : i32
    return %arg0, %c0_i32, %add3A_0 : i32, i32, i32
  }
  func.func @transform_3(%arg0: i32, %arg1: i32) -> (i32, i32, i32) {
    %add3A = arith.constant 6 : i32
    %add3A_0 = arith.addi %add3A, %arg1 : i32
    %c0_i32 = arith.constant 0 : i32
    %c0_i32_1 = arith.constant 0 : i32
    return %arg0, %c0_i32, %add3A_0 : i32, i32, i32
  }
  func.func @transform_4(%arg0: i32, %arg1: i32) -> (i32, i32) {
    %mul3A = arith.constant 2 : i32
    %mul3A_0 = arith.muli %mul3A, %arg0 : i32
    %add3A = arith.addi %mul3A_0, %arg1 : i32
    %c0_i32 = arith.constant 0 : i32
    %c0_i32_1 = arith.constant 0 : i32
    return %add3A, %c0_i32 : i32, i32
  }
}

module attributes {stable_mosaic.version = 14 : i64} {
  func.func @body(%arg0: i32, %arg1: memref<2048x13xf32, #tpu.memory_space<vmem>>, %arg2: memref<13x256xf32, #tpu.memory_space<vmem>>, %arg3: memref<1x256xf32, #tpu.memory_space<vmem>>, %arg4: memref<256x32xf32, #tpu.memory_space<vmem>>, %arg5: memref<1x32xf32, #tpu.memory_space<vmem>>, %arg6: memref<2048x32xf32, #tpu.memory_space<vmem>>) attributes {dimension_semantics = [#tpu.dimension_semantics<arbitrary>], iteration_bounds = array<i64: 8>, scalar_prefetch = 0 : i64, scratch_operands = 0 : i64, tpu.core_type = #tpu.core_type<tc>, window_params = [{transform_indices = @transform_0, window_bounds = array<i64: 2048, 13>}, {pipeline_mode = #tpu.pipeline_mode<synchronous>, transform_indices = @transform_1, window_bounds = array<i64: 13, 256>}, {pipeline_mode = #tpu.pipeline_mode<synchronous>, transform_indices = @transform_2, window_bounds = array<i64: 1, 256>}, {pipeline_mode = #tpu.pipeline_mode<synchronous>, transform_indices = @transform_3, window_bounds = array<i64: 256, 32>}, {pipeline_mode = #tpu.pipeline_mode<synchronous>, transform_indices = @transform_4, window_bounds = array<i64: 1, 32>}, {transform_indices = @transform_5, window_bounds = array<i64: 2048, 32>}]} {
    %get3A = arith.constant 0 : index
    %get3A_0 = arith.constant 0 : index
    %get3A_1 = vector.load %arg1[%get3A, %get3A_0] : memref<2048x13xf32, #tpu.memory_space<vmem>>, vector<2048x13xf32>
    %get3A_2 = arith.constant 0 : index
    %get3A_3 = arith.constant 0 : index
    %get3A_4 = vector.load %arg2[%get3A_2, %get3A_3] : memref<13x256xf32, #tpu.memory_space<vmem>>, vector<13x256xf32>
    %dot_general3A = arith.constant dense<0.000000e+00> : vector<2048x256xf32>
    %dot_general3A_5 = tpu.matmul %get3A_1, %get3A_4, %dot_general3A {dimension_numbers = #tpu.dot_dimension_numbers<[1], [0], [0], [1], [0, 0, 1, 1], [], []>, transpose_lhs_hint = false} : vector<2048x13xf32>, vector<13x256xf32>, vector<2048x256xf32> -> vector<2048x256xf32>
    %get3A_6 = arith.constant 0 : index
    %get3A_7 = arith.constant 0 : index
    %get3A_8 = vector.load %arg3[%get3A_6, %get3A_7] : memref<1x256xf32, #tpu.memory_space<vmem>>, vector<1x256xf32>
    %add3A = vector.broadcast %get3A_8 : vector<1x256xf32> to vector<2048x256xf32>
    %add3A_9 = arith.addf %dot_general3A_5, %add3A : vector<2048x256xf32>
    %max3A = arith.constant 0.000000e+00 : f32
    %max3A_10 = vector.broadcast %max3A : f32 to vector<2048x256xf32>
    %max3A_11 = arith.maximumf %add3A_9, %max3A_10 : vector<2048x256xf32>
    %get3A_12 = arith.constant 0 : index
    %get3A_13 = arith.constant 0 : index
    %get3A_14 = vector.load %arg4[%get3A_12, %get3A_13] : memref<256x32xf32, #tpu.memory_space<vmem>>, vector<256x32xf32>
    %dot_general3A_15 = arith.constant dense<0.000000e+00> : vector<2048x32xf32>
    %dot_general3A_16 = tpu.matmul %max3A_11, %get3A_14, %dot_general3A_15 {dimension_numbers = #tpu.dot_dimension_numbers<[1], [0], [0], [1], [0, 0, 1, 1], [], []>, transpose_lhs_hint = false} : vector<2048x256xf32>, vector<256x32xf32>, vector<2048x32xf32> -> vector<2048x32xf32>
    %get3A_17 = arith.constant 0 : index
    %get3A_18 = arith.constant 0 : index
    %get3A_19 = vector.load %arg5[%get3A_17, %get3A_18] : memref<1x32xf32, #tpu.memory_space<vmem>>, vector<1x32xf32>
    %add3A_20 = vector.broadcast %get3A_19 : vector<1x32xf32> to vector<2048x32xf32>
    %add3A_21 = arith.addf %dot_general3A_16, %add3A_20 : vector<2048x32xf32>
    %swap3A = arith.constant 0 : index
    %swap3A_22 = arith.constant 0 : index
    %swap3A_23 = vector.load %arg6[%swap3A, %swap3A_22] : memref<2048x32xf32, #tpu.memory_space<vmem>>, vector<2048x32xf32>
    tpu.vector_store %arg6[%swap3A, %swap3A_22], %add3A_21 {strides = array<i32>} : memref<2048x32xf32, #tpu.memory_space<vmem>>, vector<2048x32xf32>,
    return
  }
  func.func @transform_0(%arg0: i32) -> (i32, i32) {
    %c0_i32 = arith.constant 0 : i32
    %c0_i32_0 = arith.constant 0 : i32
    return %arg0, %c0_i32 : i32, i32
  }
  func.func @transform_1(%arg0: i32) -> (i32, i32) {
    %c0_i32 = arith.constant 0 : i32
    %c0_i32_0 = arith.constant 0 : i32
    %c0_i32_1 = arith.constant 0 : i32
    return %c0_i32, %c0_i32_0 : i32, i32
  }
  func.func @transform_2(%arg0: i32) -> (i32, i32) {
    %c0_i32 = arith.constant 0 : i32
    %c0_i32_0 = arith.constant 0 : i32
    %c0_i32_1 = arith.constant 0 : i32
    return %c0_i32, %c0_i32_0 : i32, i32
  }
  func.func @transform_3(%arg0: i32) -> (i32, i32) {
    %c0_i32 = arith.constant 0 : i32
    %c0_i32_0 = arith.constant 0 : i32
    %c0_i32_1 = arith.constant 0 : i32
    return %c0_i32, %c0_i32_0 : i32, i32
  }
  func.func @transform_4(%arg0: i32) -> (i32, i32) {
    %c0_i32 = arith.constant 0 : i32
    %c0_i32_0 = arith.constant 0 : i32
    %c0_i32_1 = arith.constant 0 : i32
    return %c0_i32, %c0_i32_0 : i32, i32
  }
  func.func @transform_5(%arg0: i32) -> (i32, i32) {
    %c0_i32 = arith.constant 0 : i32
    %c0_i32_0 = arith.constant 0 : i32
    return %arg0, %c0_i32 : i32, i32
  }
}

module attributes {stable_mosaic.version = 14 : i64} {
  func.func @body(%arg0: i32, %arg1: memref<1024x32xf32, #tpu.memory_space<vmem>>, %arg2: memref<1024x832xbf16, #tpu.memory_space<vmem>>, %arg3: memref<32x64xf32, #tpu.memory_space<vmem>>, %arg4: memref<832x64xf32, #tpu.memory_space<vmem>>, %arg5: memref<1x64xf32, #tpu.memory_space<vmem>>, %arg6: memref<64x1xf32, #tpu.memory_space<vmem>>, %arg7: memref<1x1xf32, #tpu.memory_space<vmem>>, %arg8: memref<1024x1xf32, #tpu.memory_space<vmem>>) attributes {dimension_semantics = [#tpu.dimension_semantics<arbitrary>], iteration_bounds = array<i64: 16>, scalar_prefetch = 0 : i64, scratch_operands = 0 : i64, tpu.core_type = #tpu.core_type<tc>, window_params = [{transform_indices = @transform_0, window_bounds = array<i64: 1024, 32>}, {transform_indices = @transform_1, window_bounds = array<i64: 1024, 832>}, {pipeline_mode = #tpu.pipeline_mode<synchronous>, transform_indices = @transform_2, window_bounds = array<i64: 32, 64>}, {pipeline_mode = #tpu.pipeline_mode<synchronous>, transform_indices = @transform_3, window_bounds = array<i64: 832, 64>}, {pipeline_mode = #tpu.pipeline_mode<synchronous>, transform_indices = @transform_4, window_bounds = array<i64: 1, 64>}, {pipeline_mode = #tpu.pipeline_mode<synchronous>, transform_indices = @transform_5, window_bounds = array<i64: 64, 1>}, {pipeline_mode = #tpu.pipeline_mode<synchronous>, transform_indices = @transform_6, window_bounds = array<i64: 1, 1>}, {transform_indices = @transform_7, window_bounds = array<i64: 1024, 1>}]} {
    %get3A = arith.constant 0 : index
    %get3A_0 = arith.constant 0 : index
    %get3A_1 = vector.load %arg1[%get3A, %get3A_0] : memref<1024x32xf32, #tpu.memory_space<vmem>>, vector<1024x32xf32>
    %get3A_2 = arith.constant 0 : index
    %get3A_3 = arith.constant 0 : index
    %get3A_4 = vector.load %arg3[%get3A_2, %get3A_3] : memref<32x64xf32, #tpu.memory_space<vmem>>, vector<32x64xf32>
    %dot_general3A = arith.constant dense<0.000000e+00> : vector<1024x64xf32>
    %dot_general3A_5 = tpu.matmul %get3A_1, %get3A_4, %dot_general3A {dimension_numbers = #tpu.dot_dimension_numbers<[1], [0], [0], [1], [0, 0, 1, 1], [], []>, transpose_lhs_hint = false} : vector<1024x32xf32>, vector<32x64xf32>, vector<1024x64xf32> -> vector<1024x64xf32>
    %get3A_6 = arith.constant 0 : index
    %get3A_7 = arith.constant 0 : index
    %get3A_8 = vector.load %arg2[%get3A_6, %get3A_7] : memref<1024x832xbf16, #tpu.memory_space<vmem>>, vector<1024x832xbf16>
    %convert_element_type3A = arith.extf %get3A_8 : vector<1024x832xbf16> to vector<1024x832xf32>
    %get3A_9 = arith.constant 0 : index
    %get3A_10 = arith.constant 0 : index
    %get3A_11 = vector.load %arg4[%get3A_9, %get3A_10] : memref<832x64xf32, #tpu.memory_space<vmem>>, vector<832x64xf32>
    %dot_general3A_12 = arith.constant dense<0.000000e+00> : vector<1024x64xf32>
    %dot_general3A_13 = tpu.matmul %convert_element_type3A, %get3A_11, %dot_general3A_12 {dimension_numbers = #tpu.dot_dimension_numbers<[1], [0], [0], [1], [0, 0, 1, 1], [], []>, transpose_lhs_hint = false} : vector<1024x832xf32>, vector<832x64xf32>, vector<1024x64xf32> -> vector<1024x64xf32>
    %add3A = arith.addf %dot_general3A_5, %dot_general3A_13 : vector<1024x64xf32>
    %get3A_14 = arith.constant 0 : index
    %get3A_15 = arith.constant 0 : index
    %get3A_16 = vector.load %arg5[%get3A_14, %get3A_15] : memref<1x64xf32, #tpu.memory_space<vmem>>, vector<1x64xf32>
    %add3A_17 = vector.broadcast %get3A_16 : vector<1x64xf32> to vector<1024x64xf32>
    %add3A_18 = arith.addf %add3A, %add3A_17 : vector<1024x64xf32>
    %max3A = arith.constant 0.000000e+00 : f32
    %max3A_19 = vector.broadcast %max3A : f32 to vector<1024x64xf32>
    %max3A_20 = arith.maximumf %add3A_18, %max3A_19 : vector<1024x64xf32>
    %get3A_21 = arith.constant 0 : index
    %get3A_22 = arith.constant 0 : index
    %get3A_23 = vector.load %arg6[%get3A_21, %get3A_22] : memref<64x1xf32, #tpu.memory_space<vmem>>, vector<64x1xf32>
    %dot_general3A_24 = arith.constant dense<0.000000e+00> : vector<1024x1xf32>
    %dot_general3A_25 = tpu.matmul %max3A_20, %get3A_23, %dot_general3A_24 {dimension_numbers = #tpu.dot_dimension_numbers<[1], [0], [0], [1], [0, 0, 1, 1], [], []>, transpose_lhs_hint = false} : vector<1024x64xf32>, vector<64x1xf32>, vector<1024x1xf32> -> vector<1024x1xf32>
    %get3A_26 = arith.constant 0 : index
    %get3A_27 = arith.constant 0 : index
    %get3A_28 = vector.load %arg7[%get3A_26, %get3A_27] : memref<1x1xf32, #tpu.memory_space<vmem>>, vector<1x1xf32>
    %add3A_29 = vector.broadcast %get3A_28 : vector<1x1xf32> to vector<1024x1xf32>
    %add3A_30 = arith.addf %dot_general3A_25, %add3A_29 : vector<1024x1xf32>
    %logistic3A = arith.negf %add3A_30 : vector<1024x1xf32>
    %logistic3A_31 = math.exp %logistic3A : vector<1024x1xf32>
    %logistic3A_32 = arith.constant 1.000000e+00 : f32
    %logistic3A_33 = vector.broadcast %logistic3A_32 : f32 to vector<1024x1xf32>
    %logistic3A_34 = arith.addf %logistic3A_33, %logistic3A_31 : vector<1024x1xf32>
    %logistic3A_35 = arith.divf %logistic3A_33, %logistic3A_34 : vector<1024x1xf32>
    %mul3A = arith.constant 5.000000e+00 : f32
    %mul3A_36 = vector.broadcast %mul3A : f32 to vector<1024x1xf32>
    %mul3A_37 = arith.mulf %logistic3A_35, %mul3A_36 : vector<1024x1xf32>
    %swap3A = arith.constant 0 : index
    %swap3A_38 = arith.constant 0 : index
    %swap3A_39 = vector.load %arg8[%swap3A, %swap3A_38] : memref<1024x1xf32, #tpu.memory_space<vmem>>, vector<1024x1xf32>
    tpu.vector_store %arg8[%swap3A, %swap3A_38], %mul3A_37 {strides = array<i32>} : memref<1024x1xf32, #tpu.memory_space<vmem>>, vector<1024x1xf32>,
    return
  }
  func.func @transform_0(%arg0: i32) -> (i32, i32) {
    %c0_i32 = arith.constant 0 : i32
    %c0_i32_0 = arith.constant 0 : i32
    return %arg0, %c0_i32 : i32, i32
  }
  func.func @transform_1(%arg0: i32) -> (i32, i32) {
    %c0_i32 = arith.constant 0 : i32
    %c0_i32_0 = arith.constant 0 : i32
    return %arg0, %c0_i32 : i32, i32
  }
  func.func @transform_2(%arg0: i32) -> (i32, i32) {
    %c0_i32 = arith.constant 0 : i32
    %c0_i32_0 = arith.constant 0 : i32
    %c0_i32_1 = arith.constant 0 : i32
    return %c0_i32, %c0_i32_0 : i32, i32
  }
  func.func @transform_3(%arg0: i32) -> (i32, i32) {
    %c0_i32 = arith.constant 0 : i32
    %c0_i32_0 = arith.constant 0 : i32
    %c0_i32_1 = arith.constant 0 : i32
    return %c0_i32, %c0_i32_0 : i32, i32
  }
  func.func @transform_4(%arg0: i32) -> (i32, i32) {
    %c0_i32 = arith.constant 0 : i32
    %c0_i32_0 = arith.constant 0 : i32
    %c0_i32_1 = arith.constant 0 : i32
    return %c0_i32, %c0_i32_0 : i32, i32
  }
  func.func @transform_5(%arg0: i32) -> (i32, i32) {
    %c0_i32 = arith.constant 0 : i32
    %c0_i32_0 = arith.constant 0 : i32
    %c0_i32_1 = arith.constant 0 : i32
    return %c0_i32, %c0_i32_0 : i32, i32
  }
  func.func @transform_6(%arg0: i32) -> (i32, i32) {
    %c0_i32 = arith.constant 0 : i32
    %c0_i32_0 = arith.constant 0 : i32
    %c0_i32_1 = arith.constant 0 : i32
    return %c0_i32, %c0_i32_0 : i32, i32
  }
  func.func @transform_7(%arg0: i32) -> (i32, i32) {
    %c0_i32 = arith.constant 0 : i32
    %c0_i32_0 = arith.constant 0 : i32
    return %arg0, %c0_i32 : i32, i32
  }
}

</mosaic_0001>

<sc_bundles>
// kernel: kernel.6.cloned.1.call-start
scs
__scs_entry_jumppad:
0x0: {  	(pc) =	sbr.rel $0x88, $3  }
0x1: {  	(tag) =	ssettag $0x0;
	lr =	simm.s32 $0x1  }
0x2: {  	[smem:$0x3F96] =	sst lr;
	_ =	strace $0xD0000000  }
0x3: {  	_ = 	snop  }
0x4: {  	_ = 	snop  }
0x5: {  	_ = 	snop  }
0x6: {  	_ = 	snop  }
0x7: {  	_ = 	snop  }
__scs_overlays_trampoline_lowered:
0x8: {  	[smem:$0x3FA5] =	sst s0  }
0x9: {  	[smem:$0x3FA6] =	sst s1  }
0xa: {  	[smem:$0x3FA7] =	sst s2  }
0xb: {  	[smem:$0x3FA8] =	sst s3  }
0xc: {  	[smem:$0x3FA9] =	sst s4  }
0xd: {  	[smem:$0x3FAA] =	sst s5  }
0xe: {  	[smem:$0x3FAB] =	sst s6  }
0xf: {  	[smem:$0x3FAC] =	sst s7  }
0x10: {  	[smem:$0x3FAD] =	sst s8  }
0x11: {  	[smem:$0x3FAE] =	sst s9;
	s0 =	simm.s32 @!p0 $0x0  }
0x12: {  	s1 =	sld [smem:$0x3F94];
	s0 =	simm.s32 @p0 $0x1  }
0x13: {  	[smem:$0x3FAF] =	sst s0;
	s0 =	simm.s32 @!p1 $0x0  }
0x14: {  	s2 =	sld [smem:$0x3F93];
	s0 =	simm.s32 @p1 $0x1  }
0x15: {  	[smem:$0x3FB0] =	sst s0;
	s0 =	simm.s32 @!p2 $0x0  }
0x16: {  	s3 =	sld [smem:$0x3FDB];
	s0 =	simm.s32 @p2 $0x1  }
0x17: {  	s4 =	simm.s32 $0x1BF5;
	[smem:$0x3FB2] =	sst s0  }
0x18: {  	s0 =	sld [smem:$0x3F95];
	_ =	swait.ge [sflag:s4], $0x0  }
0x19: {  	s7 =	sld [smem:$0x3F96]  }
0x1a: {  	s8 =	sadd.s32 $0xFFFFE003, lr  }
0x1b: {  	s9 =	sadd.s32 $0xFFFFFEF7, lr;
	s5 =	simm.s32 $0xFFFFFFFF;
	p2 =	slt.u32 s8, $0xFFFFF086  }
0x1c: {  	p1 =	slt.u32 s9, $0xF7A;
	s5 =	simm.s32 @!p2 $0x0  }
0x1d: {  	s5 =	simm.s32 @p1 $0x1;
	p0 =	seq.s32 s7, s2  }
0x1e: {  	s7 =	smul.u32 @!p0 $0xF7A, s2;
	p2 =	seq.s32 @!p0 s5, $0x0  }
0x1f: {  	s9 =	smul.u32 $0xF7A, s1;
	s8 =	simm.s32 @!p0 $0x1BF5;
	p2 =	por !p2, p0  }
0x20: {  	[sflag:s8] =	ssyncset.s32 @!p0 $0xFFFFF086;
	s6 =	sadd.s32 @!p0 s3, s7;
	s7 =	simm.s32 @!p0 $0x108  }
0x21: {  	s3 =	sadd.s32 s3, s9;
	s6 =	sadd.s32 @!p0 $0x88, s6;
	s7 =	simm.s32 @p2 $0x1082  }
0x22: {  	[simem:s7], [sflag:s8] =	dma.local @!p0 [hbm:s6], $0xF7A  }
0x23: {  	s9 =	sor.u32 $0xD0000000, s2;
	s6 =	simm.s32 $0x108;
	_ =	swait.ge @!p0 [sflag:s8], $0x0  }
0x24: {  	s3 =	sadd.s32 $0x88, s3;
	s6 =	simm.s32 @!p1 $0x1082;
	[sflag:s4] =	ssyncset.s32 $0xFFFFF086  }
0x25: {  	[simem:s6], [sflag:s4] =	dma.local [hbm:s3], $0xF7A  }
0x26: {  	[smem:$0x3F96] =	sst s1;
	(tag) =	ssettag s2;
	_ =	strace s9  }
0x27: {  	s1 =	sld [smem:$0x3FA6]  }
0x28: {  	s2 =	sld [smem:$0x3FA7]  }
0x29: {  	s4 =	sld [smem:$0x3FA9]  }
0x2a: {  	p0 =	seq.s32 s5, $0x0;
	s5 =	sld [smem:$0x3FAA]  }
0x2b: {  	s6 =	sld [smem:$0x3FAB]  }
0x2c: {  	s7 =	sld [smem:$0x3FAC]  }
0x2d: {  	s3 =	simm.s32 $0x108;
	s8 =	sld [smem:$0x3FAD]  }
0x2e: {  	s3 =	simm.s32 @!p0 $0x1082;
	s9 =	sld [smem:$0x3FAE]  }
0x2f: {  	lr =	sadd.s32 s0, s3;
	s0 =	sld [smem:$0x3FA5]  }
0x30: {  	s3 =	sld [smem:$0x3FA8]  }
0x31: {  	[smem:$0x3FB1] =	sst s10  }
0x32: {  	s10 =	sld [smem:$0x3FAF];
	_ =	sdelay $0x3  }
0x33: {  	p0 =	seq.s32 s10, $0x1;
	s10 =	sld [smem:$0x3FB1];
	_ =	sdelay $0x3  }
0x34: {  	[smem:$0x3FB1] =	sst s10  }
0x35: {  	s10 =	sld [smem:$0x3FB0];
	_ =	sdelay $0x3  }
0x36: {  	p1 =	seq.s32 s10, $0x1;
	s10 =	sld [smem:$0x3FB1];
	_ =	sdelay $0x3  }
0x37: {  	[smem:$0x3FB1] =	sst s10  }
0x38: {  	s10 =	sld [smem:$0x3FB2]  }
0x39: {  	_ = 	snop;
	(pc) =	sbr.ind lr, $3  }
0x3a: {  	_ = 	snop  }
0x3b: {  	_ = 	snop  }
0x3c: {  	p2 =	seq.s32 s10, $0x1;
	s10 =	sld [smem:$0x3FB1]  }
0x3d: {  	_ =	shalt  }
0x3e: {  	_ =	shalt  }
0x3f: {  	_ =	shalt  }
0x40: {  	_ =	shalt  }
0x41: {  	_ =	shalt  }
0x42: {  	_ =	shalt  }
0x43: {  	_ =	shalt  }
0x44: {  	_ =	shalt  }
0x45: {  	_ =	shalt  }
0x46: {  	_ =	shalt  }
0x47: {  	_ =	shalt  }
0x48: {  	_ =	shalt  }
0x49: {  	_ =	shalt  }
0x4a: {  	_ =	shalt  }
0x4b: {  	_ =	shalt  }
0x4c: {  	_ =	shalt  }
0x4d: {  	_ =	shalt  }
0x4e: {  	_ =	shalt  }
0x4f: {  	_ =	shalt  }
0x50: {  	_ =	shalt  }
0x51: {  	_ =	shalt  }
0x52: {  	_ =	shalt  }
0x53: {  	_ =	shalt  }
0x54: {  	_ =	shalt  }
0x55: {  	_ =	shalt  }
0x56: {  	_ =	shalt  }
0x57: {  	_ =	shalt  }
0x58: {  	_ =	shalt  }
0x59: {  	_ =	shalt  }
0x5a: {  	_ =	shalt  }
0x5b: {  	_ =	shalt  }
0x5c: {  	_ =	shalt  }
0x5d: {  	_ =	shalt  }
0x5e: {  	_ =	shalt  }
0x5f: {  	_ =	shalt  }
0x60: {  	_ =	shalt  }
0x61: {  	_ =	shalt  }
0x62: {  	_ =	shalt  }
0x63: {  	_ =	shalt  }
0x64: {  	_ =	shalt  }
0x65: {  	_ =	shalt  }
0x66: {  	_ =	shalt  }
0x67: {  	_ =	shalt  }
0x68: {  	_ =	shalt  }
0x69: {  	_ =	shalt  }
0x6a: {  	_ =	shalt  }
0x6b: {  	_ =	shalt  }
0x6c: {  	_ =	shalt  }
0x6d: {  	_ =	shalt  }
0x6e: {  	_ =	shalt  }
0x6f: {  	_ =	shalt  }
0x70: {  	_ =	shalt  }
0x71: {  	_ =	shalt  }
0x72: {  	_ =	shalt  }
0x73: {  	_ =	shalt  }
0x74: {  	_ =	shalt  }
0x75: {  	_ =	shalt  }
0x76: {  	_ =	shalt  }
0x77: {  	_ =	shalt  }
0x78: {  	_ =	shalt  }
0x79: {  	_ =	shalt  }
0x7a: {  	_ =	shalt  }
0x7b: {  	_ =	shalt  }
0x7c: {  	_ =	shalt  }
0x7d: {  	_ =	shalt  }
0x7e: {  	_ =	shalt  }
0x7f: {  	_ =	shalt  }
0x80: {  	_ =	shalt  }
0x81: {  	_ =	shalt  }
0x82: {  	_ =	shalt  }
0x83: {  	_ =	shalt  }
0x84: {  	_ =	shalt  }
0x85: {  	_ =	shalt  }
0x86: {  	_ =	shalt  }
0x87: {  	_ =	shalt  }
.Lfunc_end0:
.L_simem_size_0:
called_computation.1_lowered:
.L_overlay_start_0:
0x88: {  	s2 =	sld [smem:$0x3FD9]  }
0x89: {  	s3 =	sld [smem:$0x3FFE];
	_ =	sdelay $0x1  }
0x8a: {  	s1 =	srdreg.scid  }
0x8b: {  	s0 =	sand.u32 $0x1, s1  }
0x8c: {  	s16 =	sshll.u32 s0, $0xA;
	s2 =	sadd.s32 s3, s2  }
0x8d: {  	s2 =	sadd.s32 s2, s16  }
0x8e: {  	[smem:$0x3FBD] =	sst s2  }
0x8f: {  	_ = 	snop  }
0x90: {  	(tm) =	ssettm $0x1  }
0x91: {  	s17 =	sld [smem:$0x3FFB];
	_ =	sdelay $0x3  }
0x92: {  	_ =	strace s17  }
0x93: {  	s2 =	sld [smem:$0x3FFC];
	_ =	sdelay $0x3  }
0x94: {  	_ =	strace s2  }
0x95: {  	s2 =	sld [smem:$0x3FFD];
	_ =	sdelay $0x3  }
0x96: {  	_ =	strace s2  }
0x97: {  	_ =	strace $0x8FFFFFFF  }
0x98: {  	s18 =	sld [smem:$0x3FDB];
	_ =	sdelay $0x1  }
0x99: {  	s19 =	simm.s32 $_scs_section_size  }
0x9a: {  	s4 =	simm.s32 $_size__tile_overlayer_lowered;
	s5 =	simm.s32 $_tile_overlayer_lowered  }
0x9b: {  	s22 =	simm.s32 $0x1BFF;
	s21 =	sshll.u32 s5, $0x1;
	s2 =	sadd.s32 s19, s18  }
0x9c: {  	s6 =	simm.s32 $0x0;
	s20 =	sshll.u32 s4, $0x1;
	s4 =	sadd.s32 s21, s2  }
0x9d: {  	[timem:s6], [sflag:s22] =	dma.local [hbm:s4], s20  }
0x9e: {  	_ =	swait.ge [sflag:s22], s20  }
0x9f: {  	s3 =	ssub.s32 $0x0, s20;
	[sflag:s22] =	ssyncset.done $0x0  }
0xa0: {  	[sflag:s22] =	ssyncadd.s32 s3;
	_ =	sdelay $0x1  }
0xa1: {  	s23 =	simm.s32 $0x1B8B  }
0xa2: {  	_ =	swait.ge [sflag:s23], $0x1  }
0xa3: {  	[sflag:s23] =	ssyncset.done $0x0  }
0xa4: {  	s25 =	simm.s32 $0x1B8E;
	s24 =	sld [smem:$0x3FFE];
	[sflag:s23] =	ssyncadd.s32 $0xFFFFFFFF  }
0xa5: {  	s26 =	simm.s32 $execute0_lowered;
	[smem:$0x3FD2] =	sst s25  }
0xa6: {  	s4 =	sshll.u32 s26, $0x1;
	_ =	strace $0x80000049;
	[dreg:$0x1] =	wrdreg $0xFFFFFFFF  }
0xa7: {  	s28 =	simm.s32 $_size_execute0_lowered;
	s2 =	sadd.s32 s2, s4;
	[dreg:$0x0] =	wrdreg $0x0  }
0xa8: {  	s4 =	sshll.u32 s28, $0x1;
	[dreg:$0x2] =	wrdreg s2  }
0xa9: {  	[dreg:$0x3] =	wrdreg s4  }
0xaa: {  	[dreg:$0x4] =	wrdreg $0xC0  }
0xab: {  	_ =	task [dreg:s6], $0x5FFFF  }
0xac: {  	[dreg:$0x1] =	wrdreg $0xFFFFFFFF  }
0xad: {  	[dreg:$0x0] =	wrdreg $0x60  }
0xae: {  	[dreg:$0x2] =	wrdreg s24  }
0xaf: {  	[dreg:$0x3] =	wrdreg $0x9  }
0xb0: {  	_ =	task.clear_ibuf [dreg:s6], $0x4FFFF;
	_ =	strace $0x90000049  }
0xb1: {  	s29 =	simm.s32 $0x9;
	_ =	strace $0x8000004B  }
0xb2: {  	_ =	swait.ge [sflag:s29], $0x1  }
0xb3: {  	[sflag:s29] =	ssyncadd.s32 $0xFFFFFFFF  }
0xb4: {  	_ =	strace $0x9000004B  }
0xb5: {  	_ =	sfence  }
0xb6: {  	s30 =	sld [smem:$0x0];
	_ =	sdelay $0x2  }
0xb7: {  	s31 =	sshll.u32 s1, $0xD;
	s1 =	sshrl.u32 s1, $0x2  }
0xb8: {  	s3 =	sand.u32 $0x4000, s31;
	s1 =	sadd.s32 s1, s30  }
0xb9: {  	s0 =	sor.u32 s3, s0;
	s1 =	sshll.u32 s1, $0x11  }
0xba: {  	s0 =	sor.u32 s1, s0  }
0xbb: {  	s0 =	sadd.s32 $0x8F2B, s0  }
0xbc: {  	[sflag:s0] =	ssyncadd.remote.s32 $0x1  }
0xbd: {  	_ =	sfence.sel $0xFFFF  }
0xbe: {  	[dreg:$0x0] =	wrdreg $0xFFFFFFFF;
	(pc) =	sbr.abs _section_cstart, $3  }
0xbf: {  	[dreg:$0x1] =	wrdreg $0xFFFFFFFF  }
0xc0: {  	_ =	task.clear_ibuf [dreg:s6], $0x2FFFF;
	_ =	strace $0x9FFFFFFF  }
0xc1: {  	(tm) =	ssettm $0x7FFFFFFF  }
tec
execute0_lowered:
.L_overlay_start_1:
0x0: {  	(tag) =	ssettag $0x1  }
0x1: {  	s4 =	rddreg [dreg:$0x0]  }
0x2: {  	s0 =	rddreg [dreg:$0x1];
	s2 =	simm.s32 $0x0;
	s3 =	srdreg.scid  }
0x3: {  	s1 =	stileid.u32;
	s10 =	simm.s32 $0x80;
	s11 =	simm.s32 $0x3400  }
0x4: {  	s12 =	simm.s32 $0x3C00;
	s13 =	simm.s32 $0x4400;
	s14 =	simm.s32 $0x4C00  }
0x5: {  	s15 =	simm.s32 $0x1;
	s16 =	simm.s32 $0x2;
	s17 =	simm.s32 $0x3  }
0x6: {  	s18 =	simm.s32 $0x4;
	s19 =	simm.s32 $0x10;
	s20 =	simm.s32 $0x1A0  }
0x7: {  	s21 =	simm.s32 $0x0;
	[smem:$0x7FF] =	sst s2;
	s5 =	sand.u32 $0x1, s3  }
0x8: {  	s6 =	smul.u32 $0xD0000, s1;
	s3 =	sadd.s32 $0x4FBA00, s4;
	s8 =	sshll.u32 s1, $0xA  }
0x9: {  	s7 =	smul.u32 $0x68000, s5;
	s9 =	sshll.u32 s5, $0x9;
	s5 =	ssub.s32 $0x2, s5  }
0xa: {  	_ =	strace $0x8000004A;
	s8 =	sor.u32 s9, s8;
	s31 =	sshrl.u32 s5, $0x1  }
0xb: {  	s9 =	simm.s32 $0x5;
	s6 =	sadd.s32 s7, s6;
	s30 =	sshrl.u32 s8, $0x3  }
0xc: {  	s5 =	ssub.s32 s5, s31;
	s8 =	simm.s32 $0x4000;
	s6 =	sshrl.u32 s6, $0x4  }
0xd: {  	s7 =	sadd.s32 s30, s4;
	s5 =	smax.u32 s5, $0x1;
	s6 =	sadd.s32 s6, s4  }
0xe: {  	s4 =	sadd.s32 $0x9F5A00, s7;
	s7 =	simm.s32 $0x200;
	s6 =	sadd.s32 $0x1A00, s6  }
.LBB2_1:
0xf: {  	[tilespmem:s2], [sflag:$0x5] =	stream.strided.gather [hbm4b:s4+s7], $0x3400, s8, s7, $0x38;
	[tilespmem:$0x5400] =	vst v63  }
0x10: {  	_ =	swait.ge [sflag:s9], $0x3400  }
0x11: {  	[sflag:s9] =	ssyncset.done $0x0  }
0x12: {  	[sflag:s9] =	ssyncadd.s32 $0xFFFFCC00  }
0x13: {  	[tilespmem:s11], [sflag:$0x1] =	stream.indirect.gather [hbm4b:s3+s10], $0x10, s2, s10, $0xb8;
	[tilespmem:$0x5400] =	vst v63  }
0x14: {  	s22 =	simm.s32 $0x80  }
0x15: {  	[tilespmem:s12], [sflag:$0x2] =	stream.indirect.gather [hbm4b:s3+s10], $0x10, s22, s10, $0xb8;
	[tilespmem:$0x5400] =	vst v63  }
0x16: {  	s29 =	simm.s32 $0x100  }
0x17: {  	[tilespmem:s13], [sflag:$0x3] =	stream.indirect.gather [hbm4b:s3+s10], $0x10, s29, s10, $0xb8;
	[tilespmem:$0x5400] =	vst v63  }
0x18: {  	s30 =	simm.s32 $0x180  }
0x19: {  	[tilespmem:s14], [sflag:$0x4] =	stream.indirect.gather [hbm4b:s3+s10], $0x10, s30, s10, $0xb8;
	[tilespmem:$0x5400] =	vst v63  }
0x1a: {  	_ =	swait.ge [sflag:s15], $0x800  }
0x1b: {  	[sflag:s15] =	ssyncset.done $0x0  }
0x1c: {  	[sflag:s15] =	ssyncadd.s32 $0xFFFFF800  }
0x1d: {  	_ =	swait.ge [sflag:s16], $0x800  }
0x1e: {  	[sflag:s16] =	ssyncset.done $0x0  }
0x1f: {  	[sflag:s16] =	ssyncadd.s32 $0xFFFFF800  }
0x20: {  	_ =	swait.ge [sflag:s17], $0x800  }
0x21: {  	[sflag:s17] =	ssyncset.done $0x0  }
0x22: {  	[sflag:s17] =	ssyncadd.s32 $0xFFFFF800  }
0x23: {  	_ =	swait.ge [sflag:s18], $0x800  }
0x24: {  	[sflag:s18] =	ssyncset.done $0x0  }
0x25: {  	s31 =	sadd.s32 $0x0, s6;
	[sflag:s18] =	ssyncadd.s32 $0xFFFFF800  }
0x26: {  	[hbm4b:s31+s19] =	stream.strided.scatter [tilespmem:s11], [sflag:$0x5], $0x2000, s20, s19, $0x38;
	[tilespmem:$0x5400] =	vst v63  }
0x27: {  	_ =	swait.ge [sflag:s9], $0x2000  }
0x28: {  	s23 =	simm.s32 $0x0;
	s22 =	simm.s32 $0x2;
	[sflag:s9] =	ssyncset.done $0x0  }
.LBB2_2:
0x29: {  	p0 =	sne.s32 s22, $0x32;
	[sflag:s9] =	ssyncadd.s32 $0xFFFFE000;
	s23 =	sadd.s32 $0x200, s23  }
0x2a: {  	[tilespmem:s11], [sflag:$0x1] =	stream.indirect.gather [hbm4b:s3+s10], $0x10, s23, s10, $0xb8;
	[tilespmem:$0x5400] =	vst v63  }
0x2b: {  	s25 =	smov.u32 s22;
	s22 =	sadd.s32 $0x2, s22;
	s24 =	sadd.s32 $0x80, s23  }
0x2c: {  	[tilespmem:s12], [sflag:$0x2] =	stream.indirect.gather [hbm4b:s3+s10], $0x10, s24, s10, $0xb8;
	[tilespmem:$0x5400] =	vst v63  }
0x2d: {  	s24 =	sadd.s32 $0x100, s23  }
0x2e: {  	[tilespmem:s13], [sflag:$0x3] =	stream.indirect.gather [hbm4b:s3+s10], $0x10, s24, s10, $0xb8;
	[tilespmem:$0x5400] =	vst v63  }
0x2f: {  	s24 =	sadd.s32 $0x180, s23  }
0x30: {  	[tilespmem:s14], [sflag:$0x4] =	stream.indirect.gather [hbm4b:s3+s10], $0x10, s24, s10, $0xb8;
	[tilespmem:$0x5400] =	vst v63  }
0x31: {  	_ =	swait.ge [sflag:s15], $0x800  }
0x32: {  	[sflag:s15] =	ssyncset.done $0x0  }
0x33: {  	[sflag:s15] =	ssyncadd.s32 $0xFFFFF800  }
0x34: {  	_ =	swait.ge [sflag:s16], $0x800  }
0x35: {  	[sflag:s16] =	ssyncset.done $0x0  }
0x36: {  	[sflag:s16] =	ssyncadd.s32 $0xFFFFF800  }
0x37: {  	_ =	swait.ge [sflag:s17], $0x800  }
0x38: {  	[sflag:s17] =	ssyncset.done $0x0  }
0x39: {  	[sflag:s17] =	ssyncadd.s32 $0xFFFFF800  }
0x3a: {  	_ =	swait.ge [sflag:s18], $0x800  }
.Ltmp0:
0x3b: {  	[sflag:s18] =	ssyncset.done $0x0;
	(pc) =	sbr.rel @p0 .LBB2_2-.Ltmp0, $4  }
0x3c: {  	s24 =	sadd.s32 s25, s6;
	[sflag:s18] =	ssyncadd.s32 $0xFFFFF800  }
0x3d: {  	[hbm4b:s24+s19] =	stream.strided.scatter [tilespmem:s11], [sflag:$0x5], $0x2000, s20, s19, $0x38;
	[tilespmem:$0x5400] =	vst v63  }
0x3e: {  	_ =	swait.ge [sflag:s9], $0x2000  }
0x3f: {  	[sflag:s9] =	ssyncset.done $0x0  }
0x40: {  	s21 =	sadd.s32 $0x1, s21  }
0x41: {  	p0 =	sne.s32 s21, s5  }
.Ltmp1:
0x42: {  	_ = 	snop;
	(pc) =	sbr.rel @p0 .LBB2_1-.Ltmp1, $2  }
0x43: {  	_ =	sdelay $0x2  }
0x44: {  	[sflag:s9] =	ssyncadd.s32 $0xFFFFE000  }
0x45: {  	_ =	sfence.sel $0x180000  }
0x46: {  	[bflag:$0x0] =	sbarrier.arrive $0xFFFF  }
0x47: {  	p0 =	sne.s32 s1, $0x0;
	_ =	strace $0x9000004A  }
0x48: {  	s0 =	sadd.s32 @!p0 $0x100000, s0;
	[bflag:$0x2] =	sbarrier.arrive $0xFFFF  }
0x49: {  	[sflag:s0] =	ssyncadd.tile.s32 @!p0 $0x1;
	_ =	shalt  }
.Lfunc_end2:
_tile_overlayer_lowered:
.L_overlay_start_2:
0x4a: {  	(tag) =	ssettag $0x2  }
0x4b: {  	s0 =	rddreg [dreg:$0x0];
	s2 =	stileid.u32  }
0x4c: {  	s1 =	rddreg [dreg:$0x1];
	p0 =	sne.s32 s2, $0x0  }
0x4d: {  	s3 =	rddreg [dreg:$0x2];
	[bflag:$0x3] =	sbarrier.arrive $0xFFFF;
	s2 =	simm.s32 @!p0 $0x1C05  }
0x4e: {  	[timem:s3], [sflag:s2] =	dma.local @!p0 [hbm:s0], s1  }
0x4f: {  	s0 =	simm.s32 @!p0 $0x5  }
0x50: {  	_ =	swait.ge @!p0 [sflag:s0], s1  }
0x51: {  	s1 =	ssub.s32 @!p0 $0x0, s1;
	[sflag:s0] =	ssyncset.done @!p0 $0x0  }
0x52: {  	[sflag:s0] =	ssyncadd.s32 @!p0 s1  }
0x53: {  	[bflag:$0x3] =	sbarrier.arrive $0xFFFF  }
0x54: {  	_ =	shalt  }

// kernel: sparse-core-data-format-call.cloned.1.call-start
scs
called_computation_lowered:
.L_overlay_start_0:
0x0: {  	s1 =	sld [smem:$0x3FD9]  }
0x1: {  	s2 =	sld [smem:$0x3FFE];
	_ =	sdelay $0x1  }
0x2: {  	s3 =	srdreg.scid  }
0x3: {  	s0 =	sand.u32 $0x1, s3  }
0x4: {  	s17 =	sshll.u32 s0, $0xA;
	s1 =	sadd.s32 s2, s1  }
0x5: {  	s1 =	sadd.s32 s1, s17  }
0x6: {  	[smem:$0x3FBD] =	sst s1  }
0x7: {  	_ = 	snop  }
0x8: {  	(tm) =	ssettm $0x1  }
0x9: {  	s18 =	sld [smem:$0x3FFB];
	_ =	sdelay $0x3  }
0xa: {  	_ =	strace s18  }
0xb: {  	s1 =	sld [smem:$0x3FFC];
	_ =	sdelay $0x3  }
0xc: {  	_ =	strace s1  }
0xd: {  	s1 =	sld [smem:$0x3FFD];
	_ =	sdelay $0x3  }
0xe: {  	_ =	strace s1  }
0xf: {  	_ =	strace $0x8FFFFFFF  }
0x10: {  	s19 =	sld [smem:$0x3FDB];
	_ =	sdelay $0x1  }
0x11: {  	s20 =	simm.s32 $_scs_section_size  }
0x12: {  	s4 =	simm.s32 $_size__tile_overlayer_lowered;
	s5 =	simm.s32 $_tile_overlayer_lowered  }
0x13: {  	s23 =	simm.s32 $0x1BFF;
	s22 =	sshll.u32 s5, $0x1;
	s1 =	sadd.s32 s20, s19  }
0x14: {  	s6 =	simm.s32 $0x0;
	s21 =	sshll.u32 s4, $0x1;
	s4 =	sadd.s32 s22, s1  }
0x15: {  	[timem:s6], [sflag:s23] =	dma.local [hbm:s4], s21  }
0x16: {  	_ =	swait.ge [sflag:s23], s21  }
0x17: {  	s2 =	ssub.s32 $0x0, s21;
	[sflag:s23] =	ssyncset.done $0x0  }
0x18: {  	[sflag:s23] =	ssyncadd.s32 s2;
	_ =	sdelay $0x1  }
0x19: {  	s24 =	simm.s32 $0x1B8B  }
0x1a: {  	_ =	swait.ge [sflag:s24], $0x1  }
0x1b: {  	[sflag:s24] =	ssyncset.done $0x0  }
0x1c: {  	s26 =	simm.s32 $0x1B8E;
	s25 =	sld [smem:$0x3FFE];
	[sflag:s24] =	ssyncadd.s32 $0xFFFFFFFF  }
0x1d: {  	s27 =	simm.s32 $execute0_lowered;
	[smem:$0x3FD2] =	sst s26  }
0x1e: {  	s4 =	sshll.u32 s27, $0x1;
	_ =	strace $0x80000046;
	[dreg:$0x1] =	wrdreg $0xFFFFFFFF  }
0x1f: {  	s28 =	simm.s32 $_size_execute0_lowered;
	s1 =	sadd.s32 s1, s4;
	[dreg:$0x0] =	wrdreg $0x0  }
0x20: {  	s4 =	sshll.u32 s28, $0x1;
	[dreg:$0x2] =	wrdreg s1  }
0x21: {  	[dreg:$0x3] =	wrdreg s4  }
0x22: {  	[dreg:$0x4] =	wrdreg $0xC0  }
0x23: {  	_ =	task [dreg:s6], $0x5FFFF  }
0x24: {  	[dreg:$0x1] =	wrdreg $0xFFFFFFFF  }
0x25: {  	[dreg:$0x0] =	wrdreg $0x60  }
0x26: {  	[dreg:$0x2] =	wrdreg s25  }
0x27: {  	[dreg:$0x3] =	wrdreg $0x9  }
0x28: {  	_ =	task.clear_ibuf [dreg:s6], $0x4FFFF;
	_ =	strace $0x90000046  }
0x29: {  	s29 =	simm.s32 $0x9;
	_ =	strace $0x80000048  }
0x2a: {  	_ =	swait.ge [sflag:s29], $0x1  }
0x2b: {  	[sflag:s29] =	ssyncadd.s32 $0xFFFFFFFF  }
0x2c: {  	_ =	strace $0x90000048  }
0x2d: {  	_ =	sfence  }
0x2e: {  	s30 =	sld [smem:$0x0];
	_ =	sdelay $0x2  }
0x2f: {  	s31 =	sshll.u32 s3, $0xD;
	s3 =	sshrl.u32 s3, $0x2  }
0x30: {  	s2 =	sand.u32 $0x4000, s31;
	s1 =	sadd.s32 s3, s30  }
0x31: {  	s0 =	sor.u32 s2, s0;
	s1 =	sshll.u32 s1, $0x11  }
0x32: {  	s0 =	sor.u32 s1, s0  }
0x33: {  	s0 =	sadd.s32 $0x8F2B, s0  }
0x34: {  	[sflag:s0] =	ssyncadd.remote.s32 $0x1  }
0x35: {  	_ =	sfence.sel $0xFFFF  }
0x36: {  	[dreg:$0x0] =	wrdreg $0xFFFFFFFF;
	(pc) =	sbr.abs _section_cstart, $3  }
0x37: {  	[dreg:$0x1] =	wrdreg $0xFFFFFFFF  }
0x38: {  	_ =	task.clear_ibuf [dreg:s6], $0x2FFFF;
	_ =	strace $0x9FFFFFFF  }
0x39: {  	(tm) =	ssettm $0x7FFFFFFF  }
tec
execute0_lowered:
.L_overlay_start_1:
0x0: {  	(tag) =	ssettag $0x1  }
0x1: {  	s0 =	srdreg.scid  }
0x2: {  	s1 =	sshll.u32 s0, $0x4  }
0x3: {  	s4 =	rddreg [dreg:$0x0];
	s0 =	stileid.u32;
	s1 =	sand.u32 $0x10, s1  }
0x4: {  	s7 =	simm.s32 $0x1;
	s8 =	simm.s32 $0x2;
	s1 =	sor.u32 s0, s1  }
0x5: {  	s9 =	simm.s32 $0x0;
	s12 =	simm.s32 $0x0;
	s2 =	sshll.u32 s1, $0x4  }
0x6: {  	s11 =	simm.s32 $0x0;
	s3 =	sadd.s32 $0x1A00, s4;
	s6 =	ssub.s32 $0x9F40, s2  }
.Ltmp0:
0x7: {  	s4 =	sadd.s32 $0x4FBA00, s4;
	s5 =	sand.u32 $0x1F0, s6;
	(pc) =	sbr.rel .LBB1_1-.Ltmp0, $4  }
0x8: {  	s1 =	rddreg [dreg:$0x1];
	_ =	strace $0x80000047;
	p0 =	sne.s32 s5, $0x0  }
0x9: {  	s6 =	sshrl.u32 s6, $0x9;
	s5 =	simm.s32 $0x1;
	s7 =	simm.s32 @!p0 $0x0  }
0xa: {  	s10 =	smov.u32 s2;
	[sflag:s5] =	ssyncpa.u1 $0x0;
	s6 =	sadd.s32 s7, s6  }
0xb: {  	[sflag:s8] =	ssyncpa.u1 $0x0;
	s8 =	simm.s32 $0x0;
	s7 =	sadd.s32 $0x1, s6  }
.LBB1_7:
0xc: {  	s14 =	sadd.s32 $0x200, s10  }
0xd: {  	p1 =	sgt.s32 s14, $0x9F3F  }
0xe: {  	s14 =	smov.u32 @p1 s2;
	p1 =	sne.s32 s11, s7  }
.Ltmp1:
0xf: {  	p0 =	slt.u32 s11, $0x2;
	(pc) =	sbr.rel @!p1 .LBB1_8-.Ltmp1, $4  }
0x10: {  	s13 =	simm.s32 @!p0 $0x2  }
0x11: {  	s15 =	sadd.s32 $0x1, s11;
	_ =	swait.ge @!p0 [sflag:s13], $0x4000  }
0x12: {  	s12 =	smov.u32 s10;
	s9 =	sadd.s32 $0x8000, s9;
	[sflag:s13] =	ssyncset.done @!p0 $0x0  }
0x13: {  	s11 =	smov.u32 s15;
	s10 =	smov.u32 s14;
	[sflag:s13] =	ssyncadd.s32 @!p0 $0xFFFFC000  }
.LBB1_1:
0x14: {  	p0 =	sge.u32 s11, s6  }
0x15: {  	s13 =	sxor.u32 @!p0 $0xFFFFFFFF, s11  }
0x16: {  	s31 =	sadd.s32 $0xFFFFFFFF, s11;
	s14 =	sshll.u32 @!p0 s10, $0x7;
	s13 =	sshll.u32 @!p0 s13, $0xE  }
0x17: {  	s15 =	simm.s32 @!p0 $0x0;
	s14 =	sadd.s32 @!p0 s3, s14;
	s13 =	sand.u32 @!p0 $0x4000, s13  }
0x18: {  	[tilespmem:s13], [sflag:$0x1] =	stream.linear.gather @!p0 [hbm4b:s14+s15], $0x4000, $0x38;
	[tilespmem:$0x10000] =	vst v63  }
0x19: {  	p0 =	sge.u32 s31, s6  }
.Ltmp2:
0x1a: {  	_ = 	snop;
	(pc) =	sbr.rel @p0 .LBB1_7-.Ltmp2, $1  }
0x1b: {  	_ =	sdelay $0x3  }
0x1c: {  	s13 =	sshrl.u32 s9, $0x1;
	_ =	swait.ge [sflag:s5], $0x4000  }
0x1d: {  	s15 =	sshll.u32 s11, $0xE;
	s16 =	simm.s32 $0x0;
	s14 =	sand.u32 $0x4000, s13  }
0x1e: {  	[sflag:s5] =	ssyncset.done $0x0;
	s15 =	sand.u32 $0x4000, s15;
	s13 =	sor.u32 $0x200, s14  }
0x1f: {  	s14 =	sor.u32 $0x8080, s14;
	[sflag:s5] =	ssyncadd.s32 $0xFFFFC000;
	s15 =	sor.u32 $0x8000, s15  }
.LBB1_3:
0x20: {  	v0 =	vld [tilespmem:s13+$0xFFFFFE70]  }
0x21: {  	v1 =	vld [tilespmem:s13+$0x70]  }
0x22: {  	v2 =	vld [tilespmem:s13+$0x0]  }
0x23: {  	v3 =	vld [tilespmem:s13+$0xFFFFFE10]  }
0x24: {  	v4 =	vld [tilespmem:s13+$0x10]  }
0x25: {  	v5 =	vld [tilespmem:s13+$0xFFFFFE20]  }
0x26: {  	v7 =	vld [tilespmem:s13+$0x20]  }
0x27: {  	v11 =	vld [tilespmem:s13+$0x30];
	v6 =	vunpack.i.l.s16.s32 v0;
	v8 =	vunpack.i.u.s16.s32 v0;
	v9 =	vunpack.i.u.s16.s32 v1  }
0x28: {  	v10 =	vunpack.i.l.s16.s32 v1;
	v0 =	vunpack.i.u.s16.s32 v2;
	v1 =	vunpack.i.l.s16.s32 v2;
	v2 =	vld [tilespmem:s13+$0xFFFFFE30]  }
0x29: {  	v8 =	vpack.i.b32.b16 v9, v8;
	v9 =	vunpack.i.u.s16.s32 v3;
	v3 =	vunpack.i.l.s16.s32 v3  }
0x2a: {  	v12 =	vld [tilespmem:s13+$0xFFFFFE40];
	v6 =	vpack.i.b32.b16 v10, v6;
	[tilespmem:s14+$0x70] =	vst v8;
	v8 =	vunpack.i.u.s16.s32 v4;
	v4 =	vunpack.i.l.s16.s32 v4  }
0x2b: {  	v13 =	vld [tilespmem:s13+$0x40];
	v10 =	vunpack.i.u.s16.s32 v5;
	v5 =	vunpack.i.l.s16.s32 v5;
	[tilespmem:s14+$0xFFFFFFF0] =	vst v6;
	v3 =	vpack.i.b32.b16 v4, v3  }
0x2c: {  	v6 =	vunpack.i.l.s16.s32 v7;
	v4 =	vld [tilespmem:s13+$0xFFFFFE50];
	[tilespmem:s14+$0xFFFFFF90] =	vst v3;
	v3 =	vpack.i.b32.b16 v8, v9;
	v8 =	vunpack.i.u.s16.s32 v7  }
0x2d: {  	v7 =	vunpack.i.l.s16.s32 v11;
	[tilespmem:s14+$0x10] =	vst v3;
	v3 =	vpack.i.b32.b16 v6, v5;
	v9 =	vunpack.i.u.s16.s32 v2;
	v6 =	vld [tilespmem:s13+$0x50]  }
0x2e: {  	v5 =	vunpack.i.l.s16.s32 v2;
	v2 =	vld [tilespmem:s13+$0xFFFFFE60];
	[tilespmem:s14+$0xFFFFFFA0] =	vst v3;
	v3 =	vpack.i.b32.b16 v8, v10;
	v10 =	vunpack.i.u.s16.s32 v11  }
0x2f: {  	s19 =	simm.s32 $0x0;
	v11 =	vpack.i.b32.b16 v7, v5;
	v7 =	vunpack.i.u.s16.s32 v12;
	v8 =	vunpack.i.l.s16.s32 v12;
	[tilespmem:s14+$0x20] =	vst v3;
	v3 =	vld [tilespmem:s13+$0x60]  }
0x30: {  	s20 =	sadd.s32 $0x80, s13;
	s18 =	smov.u32 s14;
	s17 =	smov.u32 s14;
	v5 =	vld [tilespmem:s13+$0xFFFFFE00];
	[tilespmem:s14+$0xFFFFFFB0] =	vst v11;
	v10 =	vpack.i.b32.b16 v10, v9;
	v9 =	vunpack.i.u.s16.s32 v13;
	v11 =	vunpack.i.l.s16.s32 v13  }
.LBB1_4:
0x31: {  	v12 =	vld [tilespmem:s20+$0xFFFFFE70];
	[tilespmem:s18+$0x30] =	vst v10;
	v8 =	vpack.i.b32.b16 v11, v8;
	v10 =	vunpack.i.u.s16.s32 v4;
	v4 =	vunpack.i.l.s16.s32 v4  }
0x32: {  	s19 =	sadd.s32 $0x2, s19;
	v7 =	vpack.i.b32.b16 v9, v7;
	v11 =	vld [tilespmem:s20+$0x70];
	[tilespmem:s18+$0xFFFFFFC0] =	vst v8;
	v8 =	vunpack.i.u.s16.s32 v6;
	v6 =	vunpack.i.l.s16.s32 v6  }
0x33: {  	p0 =	slt.u32 s19, $0x6;
	v9 =	vld [tilespmem:s20+$0x0];
	[tilespmem:s18+$0x40] =	vst v7;
	v4 =	vpack.i.b32.b16 v6, v4;
	v6 =	vunpack.i.u.s16.s32 v2;
	v2 =	vunpack.i.l.s16.s32 v2  }
0x34: {  	v7 =	vld [tilespmem:s20+$0xFFFFFE10];
	[tilespmem:s18+$0xFFFFFFD0] =	vst v4;
	v4 =	vpack.i.b32.b16 v8, v10;
	v8 =	vunpack.i.u.s16.s32 v3;
	v3 =	vunpack.i.l.s16.s32 v3  }
0x35: {  	v10 =	vld [tilespmem:s20+$0x10];
	v13 =	vunpack.i.u.s16.s32 v5;
	v5 =	vunpack.i.l.s16.s32 v5;
	[tilespmem:s18+$0x50] =	vst v4;
	v2 =	vpack.i.b32.b16 v3, v2  }
0x36: {  	v3 =	vld [tilespmem:s20+$0xFFFFFE20];
	v4 =	vunpack.i.l.s16.s32 v12;
	v1 =	vpack.i.b32.b16 v1, v5;
	v5 =	vpack.i.b32.b16 v0, v13;
	[tilespmem:s18+$0xFFFFFFE0] =	vst v2  }
0x37: {  	v12 =	vunpack.i.u.s16.s32 v12;
	v2 =	vld [tilespmem:s20+$0x20];
	v13 =	vunpack.i.u.s16.s32 v11;
	v11 =	vunpack.i.l.s16.s32 v11;
	[tilespmem:s18+$0xFFFFFF80] =	vst v1  }
0x38: {  	s18 =	sadd.s32 $0x100, s18;
	v0 =	vunpack.i.u.s16.s32 v9;
	v1 =	vunpack.i.l.s16.s32 v9;
	v9 =	vld [tilespmem:s20+$0xFFFFFE30];
	v12 =	vpack.i.b32.b16 v13, v12;
	[tilespmem:s17+$0x0] =	vst v5  }
0x39: {  	v6 =	vpack.i.b32.b16 v8, v6;
	v5 =	vunpack.i.u.s16.s32 v7;
	v7 =	vunpack.i.l.s16.s32 v7;
	v13 =	vld [tilespmem:s20+$0x30];
	[tilespmem:s18+$0x70] =	vst v12  }
0x3a: {  	v4 =	vpack.i.b32.b16 v11, v4;
	v8 =	vunpack.i.u.s16.s32 v10;
	v10 =	vunpack.i.l.s16.s32 v10;
	v12 =	vld [tilespmem:s20+$0xFFFFFE40];
	[tilespmem:s17+$0x60] =	vst v6;
	s17 =	smov.u32 s18  }
0x3b: {  	v6 =	vpack.i.b32.b16 v10, v7;
	v7 =	vunpack.i.u.s16.s32 v3;
	v3 =	vunpack.i.l.s16.s32 v3;
	v11 =	vld [tilespmem:s20+$0x40];
	[tilespmem:s18+$0xFFFFFFF0] =	vst v4  }
.Ltmp3:
0x3c: {  	v5 =	vpack.i.b32.b16 v8, v5;
	[tilespmem:s18+$0xFFFFFF90] =	vst v6;
	v8 =	vunpack.i.u.s16.s32 v2;
	v2 =	vunpack.i.l.s16.s32 v2;
	v4 =	vld [tilespmem:s20+$0xFFFFFE50];
	(pc) =	sbr.rel @p0 .LBB1_4-.Ltmp3, $4  }
0x3d: {  	[tilespmem:s18+$0x10] =	vst v5;
	v2 =	vpack.i.b32.b16 v2, v3;
	v10 =	vunpack.i.u.s16.s32 v9;
	v3 =	vunpack.i.l.s16.s32 v9;
	v6 =	vld [tilespmem:s20+$0x50]  }
0x3e: {  	v5 =	vpack.i.b32.b16 v8, v7;
	[tilespmem:s18+$0xFFFFFFA0] =	vst v2;
	v9 =	vunpack.i.u.s16.s32 v13;
	v7 =	vunpack.i.l.s16.s32 v13;
	v2 =	vld [tilespmem:s20+$0xFFFFFE60]  }
0x3f: {  	[tilespmem:s18+$0x20] =	vst v5;
	v13 =	vpack.i.b32.b16 v7, v3;
	v7 =	vunpack.i.u.s16.s32 v12;
	v8 =	vunpack.i.l.s16.s32 v12;
	v3 =	vld [tilespmem:s20+$0x60]  }
0x40: {  	v10 =	vpack.i.b32.b16 v9, v10;
	v5 =	vld [tilespmem:s20+$0xFFFFFE00];
	[tilespmem:s18+$0xFFFFFFB0] =	vst v13;
	v9 =	vunpack.i.u.s16.s32 v11;
	v11 =	vunpack.i.l.s16.s32 v11;
	s20 =	sadd.s32 $0x80, s20  }
0x41: {  	[tilespmem:s18+$0x30] =	vst v10;
	v8 =	vpack.i.b32.b16 v11, v8  }
0x42: {  	v51 =	vunpack.i.l.s16.s32 v4;
	v7 =	vpack.i.b32.b16 v9, v7;
	[tilespmem:s18+$0xFFFFFFC0] =	vst v8;
	v52 =	vunpack.i.l.s16.s32 v6  }
0x43: {  	v53 =	vunpack.i.u.s16.s32 v4;
	s16 =	sadd.s32 $0x1, s16;
	v54 =	vunpack.i.u.s16.s32 v6;
	[tilespmem:s18+$0x40] =	vst v7;
	v55 =	vpack.i.b32.b16 v52, v51  }
0x44: {  	p0 =	sne.s32 s16, $0x10;
	v56 =	vunpack.i.l.s16.s32 v2;
	v4 =	vpack.i.b32.b16 v54, v53;
	[tilespmem:s18+$0xFFFFFFD0] =	vst v55;
	v57 =	vunpack.i.l.s16.s32 v3  }
.Ltmp4:
0x45: {  	[tilespmem:s18+$0x50] =	vst v4;
	v58 =	vunpack.i.l.s16.s32 v5;
	v59 =	vpack.i.b32.b16 v57, v56;
	(pc) =	sbr.rel @p0 .LBB1_3-.Ltmp4, $4  }
0x46: {  	v61 =	vunpack.i.u.s16.s32 v2;
	v62 =	vunpack.i.u.s16.s32 v3;
	v1 =	vpack.i.b32.b16 v1, v58;
	[tilespmem:s18+$0xFFFFFFE0] =	vst v59  }
0x47: {  	v60 =	vunpack.i.u.s16.s32 v5;
	v63 =	vpack.i.b32.b16 v62, v61;
	[tilespmem:s18+$0xFFFFFF80] =	vst v1  }
0x48: {  	v0 =	vpack.i.b32.b16 v0, v60;
	[tilespmem:s17+$0x60] =	vst v63  }
0x49: {  	s13 =	sadd.s32 $0x400, s13;
	s14 =	sadd.s32 $0x400, s14;
	[tilespmem:s17+$0x0] =	vst v0  }
.Ltmp5:
0x4a: {  	(pc) =	sbr.rel .LBB1_7-.Ltmp5, $4  }
0x4b: {  	_ = 	snop  }
0x4c: {  	s12 =	sshll.u32 s12, $0x7  }
0x4d: {  	s12 =	sadd.s32 s4, s12  }
0x4e: {  	[hbm4b:s12+s8] =	stream.linear.scatter [tilespmem:s15], [sflag:$0x2], $0x4000, $0x38;
	[tilespmem:$0x10000] =	vst v63  }
.LBB1_8:
0x4f: {  	_ =	sfence.sel $0x180000  }
0x50: {  	s2 =	simm.s32 $0x1;
	[bflag:$0x0] =	sbarrier.arrive $0xFFFF  }
0x51: {  	s31 =	simm.s32 $0x2;
	[sflag:s2] =	ssyncpa.u1 $0x1  }
0x52: {  	[sflag:s31] =	ssyncpa.u1 $0x1  }
0x53: {  	p0 =	sne.s32 s0, $0x0;
	_ =	strace $0x90000047  }
0x54: {  	s0 =	sadd.s32 @!p0 $0x100000, s1;
	[bflag:$0x2] =	sbarrier.arrive $0xFFFF  }
0x55: {  	[sflag:s0] =	ssyncadd.tile.s32 @!p0 $0x1;
	_ =	shalt  }
.Lfunc_end1:
_tile_overlayer_lowered:
.L_overlay_start_2:
0x56: {  	(tag) =	ssettag $0x2  }
0x57: {  	s0 =	rddreg [dreg:$0x0];
	s2 =	stileid.u32  }
0x58: {  	s1 =	rddreg [dreg:$0x1];
	p0 =	sne.s32 s2, $0x0  }
0x59: {  	s3 =	rddreg [dreg:$0x2];
	[bflag:$0x3] =	sbarrier.arrive $0xFFFF;
	s2 =	simm.s32 @!p0 $0x1C01  }
0x5a: {  	[timem:s3], [sflag:s2] =	dma.local @!p0 [hbm:s0], s1  }
0x5b: {  	s0 =	simm.s32 @!p0 $0x1  }
0x5c: {  	_ =	swait.ge @!p0 [sflag:s0], s1  }
0x5d: {  	s1 =	ssub.s32 @!p0 $0x0, s1;
	[sflag:s0] =	ssyncset.done @!p0 $0x0  }
0x5e: {  	[sflag:s0] =	ssyncadd.s32 @!p0 s1  }
0x5f: {  	[bflag:$0x3] =	sbarrier.arrive $0xFFFF  }
0x60: {  	_ =	shalt  }

</sc_bundles>
